<compile_context>
chip_gen: v7x
topology: tpu7x:2x2x1
jax: 0.10.2.dev20260603
libtpu: 0.0.44.dev20260713+nightly
codegen_flags: <defaults>
</compile_context>

<pallas_src>
import functools

import jax
import jax.numpy as jnp
from jax import lax
from jax.experimental import pallas as pl
from jax.experimental.pallas import tpu as pltpu
from jax.experimental.pallas import tpu_sc as plsc

_VOCAB = 1000000
_DIM = 64
_SEQ = 200
_NC = 2
_NS = 16
_NW = _NC * _NS
_L = 16
_TR = _SEQ // 8


def _mesh():
    return plsc.VectorSubcoreMesh(
        core_axis_name="c", subcore_axis_name="s",
        num_cores=_NC, num_subcores=_NS)


def _wid():
    return lax.axis_index("s") * _NC + lax.axis_index("c")


def _detile_body(textT_hbm, idx_hbm, stage_v, sem):
    wid = _wid()
    cps = [
        pltpu.async_copy(
            textT_hbm.at[pl.ds(i * 8, 8), pl.ds(wid * 128, 128)],
            stage_v.at[i], sem)
        for i in range(_TR)
    ]
    for cp in cps:
        cp.wait()
    pltpu.sync_copy(stage_v, idx_hbm.at[pl.ds(wid * _TR, _TR)])


def _emb_mean_body(bpw, idx_hbm, table_hbm, out_hbm, idx_v, acc_v, sem):
    wid = _wid()
    b0 = wid * bpw

    pltpu.sync_copy(idx_hbm.at[pl.ds(wid * _TR, _TR)], idx_v)

    def zbody(r, _):
        for k in range(_DIM // _L):
            acc_v[r, pl.ds(k * _L, _L)] = jnp.zeros((_L,), jnp.float32)
        return 0

    lax.fori_loop(0, bpw, zbody, 0)

    def fire(i):
        for r in range(8):
            pltpu.async_copy(table_hbm.at[idx_v.at[i, r]], acc_v, sem,
                             add=True)

    def drain():
        for _ in range(8):
            pltpu.make_async_copy(table_hbm.at[pl.ds(0, bpw)], acc_v,
                                  sem).wait()

    fire(0)

    def body(i, _):
        fire(i)
        drain()
        return 0

    lax.fori_loop(1, _TR, body, 0)
    drain()

    scale = jnp.float32(1.0 / _SEQ)

    def sbody(r, _):
        for k in range(_DIM // _L):
            acc_v[r, pl.ds(k * _L, _L)] = acc_v[r, pl.ds(k * _L, _L)] * scale
        return 0

    lax.fori_loop(0, bpw, sbody, 0)
    pltpu.sync_copy(acc_v, out_hbm.at[pl.ds(b0, bpw)])


@functools.partial(jax.jit, static_argnames=("batch",))
def _emb_mean(textT, table, batch):
    bpw = batch // _NW
    idx = pl.kernel(
        _detile_body,
        out_type=jax.ShapeDtypeStruct((_NW * _TR, 8, 128), jnp.int32),
        mesh=_mesh(),
        compiler_params=pltpu.CompilerParams(use_tc_tiling_on_sc=True),
        scratch_types=[
            pltpu.VMEM((_TR, 8, 128), jnp.int32),
            pltpu.SemaphoreType.DMA,
        ],
    )(textT)
    return pl.kernel(
        functools.partial(_emb_mean_body, bpw),
        out_type=jax.ShapeDtypeStruct((batch, _DIM), jnp.float32),
        mesh=_mesh(),
        compiler_params=pltpu.CompilerParams(use_tc_tiling_on_sc=False),
        scratch_types=[
            pltpu.VMEM((_TR, 8, 128), jnp.int32),
            pltpu.VMEM((bpw, _DIM), jnp.float32),
            pltpu.SemaphoreType.DMA,
        ],
    )(idx, table)


def kernel(text, table):
    batch = text.shape[0]
    textT = jnp.swapaxes(text.astype(jnp.int32), 0, 1)
    return _emb_mean(textT, table, batch)

# --- scband reference (transcript-rebuilt; emitter-appended) ---
"""Pipeline reference for scband-awe-19370302505234 (READ-ONLY COPY).

The authoritative reference and input builder live on the scoring server;
editing this copy changes nothing except your own understanding.
"""

import jax, jax.numpy as jnp
import numpy as np

VOCAB = 1000000
DIM = 64
BATCH = 4096
SEQ = 200

def setup_inputs(seed: int = 0) -> dict:
    key = jax.random.key(seed)
    k_tab, k_idx = jax.random.split(key)
    table = jax.random.normal(k_tab, (VOCAB, DIM), dtype=jnp.float32) * 0.02
    text = jax.random.randint(k_idx, (BATCH, SEQ), 0, VOCAB, dtype=jnp.int64)
    return {"text": text, "table": table}


def reference(text, table):
    # embedding lookup: gather rows of the table
    embeddings = jnp.take(table, text, axis=0)  # [B, L, D]
    # average over the sequence dimension (dim=1)
    mean_embeddings = jnp.mean(embeddings, axis=1)  # [B, D]
    return mean_embeddings

if __name__ == "__main__":
    import jax
    _d = setup_inputs()
    print(jax.jit(kernel)(*tuple(_d.values())))

</pallas_src>

<mosaic_0001>
#map = affine_map<(d0, d1) -> (0, 0)>
#map1 = affine_map<(d0, d1) -> (0, 0, 0)>
module attributes {stable_mosaic.version = 14 : i64} {
  func.func @_detile_body(%arg0: i32, %arg1: i32, %arg2: memref<200x4096xi32, #tpu.memory_space<hbm>>, %arg3: memref<800x8x128xi32, #tpu.memory_space<hbm>>, %arg4: memref<25x8x128xi32, #tpu.memory_space<vmem>>, %arg5: memref<!tpu.dma_semaphore, #tpu.memory_space<semaphore_mem>>) attributes {dimension_semantics = [#tpu.dimension_semantics<core_parallel>, #tpu.dimension_semantics<subcore_parallel>], iteration_bounds = array<i64: 2, 16>, scalar_prefetch = 0 : i64, scratch_operands = 2 : i64, tpu.core_type = #tpu.core_type<sc_vector_subcore>, window_params = [{transform_indices = #map}, {transform_indices = #map1}]} {
    %mul3A = arith.constant 2 : i32
    %mul3A_0 = arith.muli %arg1, %mul3A : i32
    %add3A = arith.addi %mul3A_0, %arg0 : i32
    %mul3A_1 = arith.constant 128 : i32
    %mul3A_2 = arith.muli %add3A, %mul3A_1 : i32
    %dma_start3A = arith.constant 0 : i32
    %dma_start3A_3 = arith.constant 0 : i32
    %dma_start3A_4 = arith.constant 0 : i32
    %dma_start3A_5 = tpu.memref_slice %arg4[%dma_start3A, %dma_start3A_3, %dma_start3A_4] : memref<25x8x128xi32, #tpu.memory_space<vmem>> -> memref<1x8x128xi32, #tpu.memory_space<vmem>>
    %dma_start3A_6 = tpu.memref_squeeze %dma_start3A_5 : memref<1x8x128xi32, #tpu.memory_space<vmem>> -> memref<8x128xi32, #tpu.memory_space<vmem>>
    %dma_start3A_7 = arith.constant 0 : i32
    %dma_start3A_8 = tpu.memref_slice %arg2[%dma_start3A_7, %mul3A_2] : memref<200x4096xi32, #tpu.memory_space<hbm>> -> memref<8x128xi32, #tpu.memory_space<hbm>>
    %dma_start3A_9 = arith.constant 0 : i32
    %dma_start3A_10 = arith.constant 0 : i32
    %dma_start3A_11 = tpu.memref_slice %arg4[%dma_start3A, %dma_start3A_9, %dma_start3A_10] : memref<25x8x128xi32, #tpu.memory_space<vmem>> -> memref<1x8x128xi32, #tpu.memory_space<vmem>>
    %dma_start3A_12 = tpu.memref_squeeze %dma_start3A_11 : memref<1x8x128xi32, #tpu.memory_space<vmem>> -> memref<8x128xi32, #tpu.memory_space<vmem>>
    %dma_start3A_13 = arith.constant 0 : i32
    %dma_start3A_14 = tpu.memref_slice %arg2[%dma_start3A_13, %mul3A_2] : memref<200x4096xi32, #tpu.memory_space<hbm>> -> memref<8x128xi32, #tpu.memory_space<hbm>>
    tpu.enqueue_dma source(%dma_start3A_14 : memref<8x128xi32, #tpu.memory_space<hbm>>) target(%dma_start3A_12 : memref<8x128xi32, #tpu.memory_space<vmem>>) target_semaphore(%arg5 : memref<!tpu.dma_semaphore, #tpu.memory_space<semaphore_mem>>)
    %mul3A_15 = arith.constant 128 : i32
    %mul3A_16 = arith.muli %add3A, %mul3A_15 : i32
    %dma_start3A_17 = arith.constant 1 : i32
    %dma_start3A_18 = arith.constant 0 : i32
    %dma_start3A_19 = arith.constant 0 : i32
    %dma_start3A_20 = tpu.memref_slice %arg4[%dma_start3A_17, %dma_start3A_18, %dma_start3A_19] : memref<25x8x128xi32, #tpu.memory_space<vmem>> -> memref<1x8x128xi32, #tpu.memory_space<vmem>>
    %dma_start3A_21 = tpu.memref_squeeze %dma_start3A_20 : memref<1x8x128xi32, #tpu.memory_space<vmem>> -> memref<8x128xi32, #tpu.memory_space<vmem>>
    %dma_start3A_22 = arith.constant 8 : i32
    %dma_start3A_23 = tpu.memref_slice %arg2[%dma_start3A_22, %mul3A_16] : memref<200x4096xi32, #tpu.memory_space<hbm>> -> memref<8x128xi32, #tpu.memory_space<hbm>>
    %dma_start3A_24 = arith.constant 0 : i32
    %dma_start3A_25 = arith.constant 0 : i32
    %dma_start3A_26 = tpu.memref_slice %arg4[%dma_start3A_17, %dma_start3A_24, %dma_start3A_25] : memref<25x8x128xi32, #tpu.memory_space<vmem>> -> memref<1x8x128xi32, #tpu.memory_space<vmem>>
    %dma_start3A_27 = tpu.memref_squeeze %dma_start3A_26 : memref<1x8x128xi32, #tpu.memory_space<vmem>> -> memref<8x128xi32, #tpu.memory_space<vmem>>
    %dma_start3A_28 = arith.constant 8 : i32
    %dma_start3A_29 = tpu.memref_slice %arg2[%dma_start3A_28, %mul3A_16] : memref<200x4096xi32, #tpu.memory_space<hbm>> -> memref<8x128xi32, #tpu.memory_space<hbm>>
    tpu.enqueue_dma source(%dma_start3A_29 : memref<8x128xi32, #tpu.memory_space<hbm>>) target(%dma_start3A_27 : memref<8x128xi32, #tpu.memory_space<vmem>>) target_semaphore(%arg5 : memref<!tpu.dma_semaphore, #tpu.memory_space<semaphore_mem>>)
    %mul3A_30 = arith.constant 128 : i32
    %mul3A_31 = arith.muli %add3A, %mul3A_30 : i32
    %dma_start3A_32 = arith.constant 2 : i32
    %dma_start3A_33 = arith.constant 0 : i32
    %dma_start3A_34 = arith.constant 0 : i32
    %dma_start3A_35 = tpu.memref_slice %arg4[%dma_start3A_32, %dma_start3A_33, %dma_start3A_34] : memref<25x8x128xi32, #tpu.memory_space<vmem>> -> memref<1x8x128xi32, #tpu.memory_space<vmem>>
    %dma_start3A_36 = tpu.memref_squeeze %dma_start3A_35 : memref<1x8x128xi32, #tpu.memory_space<vmem>> -> memref<8x128xi32, #tpu.memory_space<vmem>>
    %dma_start3A_37 = arith.constant 16 : i32
    %dma_start3A_38 = tpu.memref_slice %arg2[%dma_start3A_37, %mul3A_31] : memref<200x4096xi32, #tpu.memory_space<hbm>> -> memref<8x128xi32, #tpu.memory_space<hbm>>
    %dma_start3A_39 = arith.constant 0 : i32
    %dma_start3A_40 = arith.constant 0 : i32
    %dma_start3A_41 = tpu.memref_slice %arg4[%dma_start3A_32, %dma_start3A_39, %dma_start3A_40] : memref<25x8x128xi32, #tpu.memory_space<vmem>> -> memref<1x8x128xi32, #tpu.memory_space<vmem>>
    %dma_start3A_42 = tpu.memref_squeeze %dma_start3A_41 : memref<1x8x128xi32, #tpu.memory_space<vmem>> -> memref<8x128xi32, #tpu.memory_space<vmem>>
    %dma_start3A_43 = arith.constant 16 : i32
    %dma_start3A_44 = tpu.memref_slice %arg2[%dma_start3A_43, %mul3A_31] : memref<200x4096xi32, #tpu.memory_space<hbm>> -> memref<8x128xi32, #tpu.memory_space<hbm>>
    tpu.enqueue_dma source(%dma_start3A_44 : memref<8x128xi32, #tpu.memory_space<hbm>>) target(%dma_start3A_42 : memref<8x128xi32, #tpu.memory_space<vmem>>) target_semaphore(%arg5 : memref<!tpu.dma_semaphore, #tpu.memory_space<semaphore_mem>>)
    %mul3A_45 = arith.constant 128 : i32
    %mul3A_46 = arith.muli %add3A, %mul3A_45 : i32
    %dma_start3A_47 = arith.constant 3 : i32
    %dma_start3A_48 = arith.constant 0 : i32
    %dma_start3A_49 = arith.constant 0 : i32
    %dma_start3A_50 = tpu.memref_slice %arg4[%dma_start3A_47, %dma_start3A_48, %dma_start3A_49] : memref<25x8x128xi32, #tpu.memory_space<vmem>> -> memref<1x8x128xi32, #tpu.memory_space<vmem>>
    %dma_start3A_51 = tpu.memref_squeeze %dma_start3A_50 : memref<1x8x128xi32, #tpu.memory_space<vmem>> -> memref<8x128xi32, #tpu.memory_space<vmem>>
    %dma_start3A_52 = arith.constant 24 : i32
    %dma_start3A_53 = tpu.memref_slice %arg2[%dma_start3A_52, %mul3A_46] : memref<200x4096xi32, #tpu.memory_space<hbm>> -> memref<8x128xi32, #tpu.memory_space<hbm>>
    %dma_start3A_54 = arith.constant 0 : i32
    %dma_start3A_55 = arith.constant 0 : i32
    %dma_start3A_56 = tpu.memref_slice %arg4[%dma_start3A_47, %dma_start3A_54, %dma_start3A_55] : memref<25x8x128xi32, #tpu.memory_space<vmem>> -> memref<1x8x128xi32, #tpu.memory_space<vmem>>
    %dma_start3A_57 = tpu.memref_squeeze %dma_start3A_56 : memref<1x8x128xi32, #tpu.memory_space<vmem>> -> memref<8x128xi32, #tpu.memory_space<vmem>>
    %dma_start3A_58 = arith.constant 24 : i32
    %dma_start3A_59 = tpu.memref_slice %arg2[%dma_start3A_58, %mul3A_46] : memref<200x4096xi32, #tpu.memory_space<hbm>> -> memref<8x128xi32, #tpu.memory_space<hbm>>
    tpu.enqueue_dma source(%dma_start3A_59 : memref<8x128xi32, #tpu.memory_space<hbm>>) target(%dma_start3A_57 : memref<8x128xi32, #tpu.memory_space<vmem>>) target_semaphore(%arg5 : memref<!tpu.dma_semaphore, #tpu.memory_space<semaphore_mem>>)
    %mul3A_60 = arith.constant 128 : i32
    %mul3A_61 = arith.muli %add3A, %mul3A_60 : i32
    %dma_start3A_62 = arith.constant 4 : i32
    %dma_start3A_63 = arith.constant 0 : i32
    %dma_start3A_64 = arith.constant 0 : i32
    %dma_start3A_65 = tpu.memref_slice %arg4[%dma_start3A_62, %dma_start3A_63, %dma_start3A_64] : memref<25x8x128xi32, #tpu.memory_space<vmem>> -> memref<1x8x128xi32, #tpu.memory_space<vmem>>
    %dma_start3A_66 = tpu.memref_squeeze %dma_start3A_65 : memref<1x8x128xi32, #tpu.memory_space<vmem>> -> memref<8x128xi32, #tpu.memory_space<vmem>>
    %dma_start3A_67 = arith.constant 32 : i32
    %dma_start3A_68 = tpu.memref_slice %arg2[%dma_start3A_67, %mul3A_61] : memref<200x4096xi32, #tpu.memory_space<hbm>> -> memref<8x128xi32, #tpu.memory_space<hbm>>
    %dma_start3A_69 = arith.constant 0 : i32
    %dma_start3A_70 = arith.constant 0 : i32
    %dma_start3A_71 = tpu.memref_slice %arg4[%dma_start3A_62, %dma_start3A_69, %dma_start3A_70] : memref<25x8x128xi32, #tpu.memory_space<vmem>> -> memref<1x8x128xi32, #tpu.memory_space<vmem>>
    %dma_start3A_72 = tpu.memref_squeeze %dma_start3A_71 : memref<1x8x128xi32, #tpu.memory_space<vmem>> -> memref<8x128xi32, #tpu.memory_space<vmem>>
    %dma_start3A_73 = arith.constant 32 : i32
    %dma_start3A_74 = tpu.memref_slice %arg2[%dma_start3A_73, %mul3A_61] : memref<200x4096xi32, #tpu.memory_space<hbm>> -> memref<8x128xi32, #tpu.memory_space<hbm>>
    tpu.enqueue_dma source(%dma_start3A_74 : memref<8x128xi32, #tpu.memory_space<hbm>>) target(%dma_start3A_72 : memref<8x128xi32, #tpu.memory_space<vmem>>) target_semaphore(%arg5 : memref<!tpu.dma_semaphore, #tpu.memory_space<semaphore_mem>>)
    %mul3A_75 = arith.constant 128 : i32
    %mul3A_76 = arith.muli %add3A, %mul3A_75 : i32
    %dma_start3A_77 = arith.constant 5 : i32
    %dma_start3A_78 = arith.constant 0 : i32
    %dma_start3A_79 = arith.constant 0 : i32
    %dma_start3A_80 = tpu.memref_slice %arg4[%dma_start3A_77, %dma_start3A_78, %dma_start3A_79] : memref<25x8x128xi32, #tpu.memory_space<vmem>> -> memref<1x8x128xi32, #tpu.memory_space<vmem>>
    %dma_start3A_81 = tpu.memref_squeeze %dma_start3A_80 : memref<1x8x128xi32, #tpu.memory_space<vmem>> -> memref<8x128xi32, #tpu.memory_space<vmem>>
    %dma_start3A_82 = arith.constant 40 : i32
    %dma_start3A_83 = tpu.memref_slice %arg2[%dma_start3A_82, %mul3A_76] : memref<200x4096xi32, #tpu.memory_space<hbm>> -> memref<8x128xi32, #tpu.memory_space<hbm>>
    %dma_start3A_84 = arith.constant 0 : i32
    %dma_start3A_85 = arith.constant 0 : i32
    %dma_start3A_86 = tpu.memref_slice %arg4[%dma_start3A_77, %dma_start3A_84, %dma_start3A_85] : memref<25x8x128xi32, #tpu.memory_space<vmem>> -> memref<1x8x128xi32, #tpu.memory_space<vmem>>
    %dma_start3A_87 = tpu.memref_squeeze %dma_start3A_86 : memref<1x8x128xi32, #tpu.memory_space<vmem>> -> memref<8x128xi32, #tpu.memory_space<vmem>>
    %dma_start3A_88 = arith.constant 40 : i32
    %dma_start3A_89 = tpu.memref_slice %arg2[%dma_start3A_88, %mul3A_76] : memref<200x4096xi32, #tpu.memory_space<hbm>> -> memref<8x128xi32, #tpu.memory_space<hbm>>
    tpu.enqueue_dma source(%dma_start3A_89 : memref<8x128xi32, #tpu.memory_space<hbm>>) target(%dma_start3A_87 : memref<8x128xi32, #tpu.memory_space<vmem>>) target_semaphore(%arg5 : memref<!tpu.dma_semaphore, #tpu.memory_space<semaphore_mem>>)
    %mul3A_90 = arith.constant 128 : i32
    %mul3A_91 = arith.muli %add3A, %mul3A_90 : i32
    %dma_start3A_92 = arith.constant 6 : i32
    %dma_start3A_93 = arith.constant 0 : i32
    %dma_start3A_94 = arith.constant 0 : i32
    %dma_start3A_95 = tpu.memref_slice %arg4[%dma_start3A_92, %dma_start3A_93, %dma_start3A_94] : memref<25x8x128xi32, #tpu.memory_space<vmem>> -> memref<1x8x128xi32, #tpu.memory_space<vmem>>
    %dma_start3A_96 = tpu.memref_squeeze %dma_start3A_95 : memref<1x8x128xi32, #tpu.memory_space<vmem>> -> memref<8x128xi32, #tpu.memory_space<vmem>>
    %dma_start3A_97 = arith.constant 48 : i32
    %dma_start3A_98 = tpu.memref_slice %arg2[%dma_start3A_97, %mul3A_91] : memref<200x4096xi32, #tpu.memory_space<hbm>> -> memref<8x128xi32, #tpu.memory_space<hbm>>
    %dma_start3A_99 = arith.constant 0 : i32
    %dma_start3A_100 = arith.constant 0 : i32
    %dma_start3A_101 = tpu.memref_slice %arg4[%dma_start3A_92, %dma_start3A_99, %dma_start3A_100] : memref<25x8x128xi32, #tpu.memory_space<vmem>> -> memref<1x8x128xi32, #tpu.memory_space<vmem>>
    %dma_start3A_102 = tpu.memref_squeeze %dma_start3A_101 : memref<1x8x128xi32, #tpu.memory_space<vmem>> -> memref<8x128xi32, #tpu.memory_space<vmem>>
    %dma_start3A_103 = arith.constant 48 : i32
    %dma_start3A_104 = tpu.memref_slice %arg2[%dma_start3A_103, %mul3A_91] : memref<200x4096xi32, #tpu.memory_space<hbm>> -> memref<8x128xi32, #tpu.memory_space<hbm>>
    tpu.enqueue_dma source(%dma_start3A_104 : memref<8x128xi32, #tpu.memory_space<hbm>>) target(%dma_start3A_102 : memref<8x128xi32, #tpu.memory_space<vmem>>) target_semaphore(%arg5 : memref<!tpu.dma_semaphore, #tpu.memory_space<semaphore_mem>>)
    %mul3A_105 = arith.constant 128 : i32
    %mul3A_106 = arith.muli %add3A, %mul3A_105 : i32
    %dma_start3A_107 = arith.constant 7 : i32
    %dma_start3A_108 = arith.constant 0 : i32
    %dma_start3A_109 = arith.constant 0 : i32
    %dma_start3A_110 = tpu.memref_slice %arg4[%dma_start3A_107, %dma_start3A_108, %dma_start3A_109] : memref<25x8x128xi32, #tpu.memory_space<vmem>> -> memref<1x8x128xi32, #tpu.memory_space<vmem>>
    %dma_start3A_111 = tpu.memref_squeeze %dma_start3A_110 : memref<1x8x128xi32, #tpu.memory_space<vmem>> -> memref<8x128xi32, #tpu.memory_space<vmem>>
    %dma_start3A_112 = arith.constant 56 : i32
    %dma_start3A_113 = tpu.memref_slice %arg2[%dma_start3A_112, %mul3A_106] : memref<200x4096xi32, #tpu.memory_space<hbm>> -> memref<8x128xi32, #tpu.memory_space<hbm>>
    %dma_start3A_114 = arith.constant 0 : i32
    %dma_start3A_115 = arith.constant 0 : i32
    %dma_start3A_116 = tpu.memref_slice %arg4[%dma_start3A_107, %dma_start3A_114, %dma_start3A_115] : memref<25x8x128xi32, #tpu.memory_space<vmem>> -> memref<1x8x128xi32, #tpu.memory_space<vmem>>
    %dma_start3A_117 = tpu.memref_squeeze %dma_start3A_116 : memref<1x8x128xi32, #tpu.memory_space<vmem>> -> memref<8x128xi32, #tpu.memory_space<vmem>>
    %dma_start3A_118 = arith.constant 56 : i32
    %dma_start3A_119 = tpu.memref_slice %arg2[%dma_start3A_118, %mul3A_106] : memref<200x4096xi32, #tpu.memory_space<hbm>> -> memref<8x128xi32, #tpu.memory_space<hbm>>
    tpu.enqueue_dma source(%dma_start3A_119 : memref<8x128xi32, #tpu.memory_space<hbm>>) target(%dma_start3A_117 : memref<8x128xi32, #tpu.memory_space<vmem>>) target_semaphore(%arg5 : memref<!tpu.dma_semaphore, #tpu.memory_space<semaphore_mem>>)
    %mul3A_120 = arith.constant 128 : i32
    %mul3A_121 = arith.muli %add3A, %mul3A_120 : i32
    %dma_start3A_122 = arith.constant 8 : i32
    %dma_start3A_123 = arith.constant 0 : i32
    %dma_start3A_124 = arith.constant 0 : i32
    %dma_start3A_125 = tpu.memref_slice %arg4[%dma_start3A_122, %dma_start3A_123, %dma_start3A_124] : memref<25x8x128xi32, #tpu.memory_space<vmem>> -> memref<1x8x128xi32, #tpu.memory_space<vmem>>
    %dma_start3A_126 = tpu.memref_squeeze %dma_start3A_125 : memref<1x8x128xi32, #tpu.memory_space<vmem>> -> memref<8x128xi32, #tpu.memory_space<vmem>>
    %dma_start3A_127 = arith.constant 64 : i32
    %dma_start3A_128 = tpu.memref_slice %arg2[%dma_start3A_127, %mul3A_121] : memref<200x4096xi32, #tpu.memory_space<hbm>> -> memref<8x128xi32, #tpu.memory_space<hbm>>
    %dma_start3A_129 = arith.constant 0 : i32
    %dma_start3A_130 = arith.constant 0 : i32
    %dma_start3A_131 = tpu.memref_slice %arg4[%dma_start3A_122, %dma_start3A_129, %dma_start3A_130] : memref<25x8x128xi32, #tpu.memory_space<vmem>> -> memref<1x8x128xi32, #tpu.memory_space<vmem>>
    %dma_start3A_132 = tpu.memref_squeeze %dma_start3A_131 : memref<1x8x128xi32, #tpu.memory_space<vmem>> -> memref<8x128xi32, #tpu.memory_space<vmem>>
    %dma_start3A_133 = arith.constant 64 : i32
    %dma_start3A_134 = tpu.memref_slice %arg2[%dma_start3A_133, %mul3A_121] : memref<200x4096xi32, #tpu.memory_space<hbm>> -> memref<8x128xi32, #tpu.memory_space<hbm>>
    tpu.enqueue_dma source(%dma_start3A_134 : memref<8x128xi32, #tpu.memory_space<hbm>>) target(%dma_start3A_132 : memref<8x128xi32, #tpu.memory_space<vmem>>) target_semaphore(%arg5 : memref<!tpu.dma_semaphore, #tpu.memory_space<semaphore_mem>>)
    %mul3A_135 = arith.constant 128 : i32
    %mul3A_136 = arith.muli %add3A, %mul3A_135 : i32
    %dma_start3A_137 = arith.constant 9 : i32
    %dma_start3A_138 = arith.constant 0 : i32
    %dma_start3A_139 = arith.constant 0 : i32
    %dma_start3A_140 = tpu.memref_slice %arg4[%dma_start3A_137, %dma_start3A_138, %dma_start3A_139] : memref<25x8x128xi32, #tpu.memory_space<vmem>> -> memref<1x8x128xi32, #tpu.memory_space<vmem>>
    %dma_start3A_141 = tpu.memref_squeeze %dma_start3A_140 : memref<1x8x128xi32, #tpu.memory_space<vmem>> -> memref<8x128xi32, #tpu.memory_space<vmem>>
    %dma_start3A_142 = arith.constant 72 : i32
    %dma_start3A_143 = tpu.memref_slice %arg2[%dma_start3A_142, %mul3A_136] : memref<200x4096xi32, #tpu.memory_space<hbm>> -> memref<8x128xi32, #tpu.memory_space<hbm>>
    %dma_start3A_144 = arith.constant 0 : i32
    %dma_start3A_145 = arith.constant 0 : i32
    %dma_start3A_146 = tpu.memref_slice %arg4[%dma_start3A_137, %dma_start3A_144, %dma_start3A_145] : memref<25x8x128xi32, #tpu.memory_space<vmem>> -> memref<1x8x128xi32, #tpu.memory_space<vmem>>
    %dma_start3A_147 = tpu.memref_squeeze %dma_start3A_146 : memref<1x8x128xi32, #tpu.memory_space<vmem>> -> memref<8x128xi32, #tpu.memory_space<vmem>>
    %dma_start3A_148 = arith.constant 72 : i32
    %dma_start3A_149 = tpu.memref_slice %arg2[%dma_start3A_148, %mul3A_136] : memref<200x4096xi32, #tpu.memory_space<hbm>> -> memref<8x128xi32, #tpu.memory_space<hbm>>
    tpu.enqueue_dma source(%dma_start3A_149 : memref<8x128xi32, #tpu.memory_space<hbm>>) target(%dma_start3A_147 : memref<8x128xi32, #tpu.memory_space<vmem>>) target_semaphore(%arg5 : memref<!tpu.dma_semaphore, #tpu.memory_space<semaphore_mem>>)
    %mul3A_150 = arith.constant 128 : i32
    %mul3A_151 = arith.muli %add3A, %mul3A_150 : i32
    %dma_start3A_152 = arith.constant 10 : i32
    %dma_start3A_153 = arith.constant 0 : i32
    %dma_start3A_154 = arith.constant 0 : i32
    %dma_start3A_155 = tpu.memref_slice %arg4[%dma_start3A_152, %dma_start3A_153, %dma_start3A_154] : memref<25x8x128xi32, #tpu.memory_space<vmem>> -> memref<1x8x128xi32, #tpu.memory_space<vmem>>
    %dma_start3A_156 = tpu.memref_squeeze %dma_start3A_155 : memref<1x8x128xi32, #tpu.memory_space<vmem>> -> memref<8x128xi32, #tpu.memory_space<vmem>>
    %dma_start3A_157 = arith.constant 80 : i32
    %dma_start3A_158 = tpu.memref_slice %arg2[%dma_start3A_157, %mul3A_151] : memref<200x4096xi32, #tpu.memory_space<hbm>> -> memref<8x128xi32, #tpu.memory_space<hbm>>
    %dma_start3A_159 = arith.constant 0 : i32
    %dma_start3A_160 = arith.constant 0 : i32
    %dma_start3A_161 = tpu.memref_slice %arg4[%dma_start3A_152, %dma_start3A_159, %dma_start3A_160] : memref<25x8x128xi32, #tpu.memory_space<vmem>> -> memref<1x8x128xi32, #tpu.memory_space<vmem>>
    %dma_start3A_162 = tpu.memref_squeeze %dma_start3A_161 : memref<1x8x128xi32, #tpu.memory_space<vmem>> -> memref<8x128xi32, #tpu.memory_space<vmem>>
    %dma_start3A_163 = arith.constant 80 : i32
    %dma_start3A_164 = tpu.memref_slice %arg2[%dma_start3A_163, %mul3A_151] : memref<200x4096xi32, #tpu.memory_space<hbm>> -> memref<8x128xi32, #tpu.memory_space<hbm>>
    tpu.enqueue_dma source(%dma_start3A_164 : memref<8x128xi32, #tpu.memory_space<hbm>>) target(%dma_start3A_162 : memref<8x128xi32, #tpu.memory_space<vmem>>) target_semaphore(%arg5 : memref<!tpu.dma_semaphore, #tpu.memory_space<semaphore_mem>>)
    %mul3A_165 = arith.constant 128 : i32
    %mul3A_166 = arith.muli %add3A, %mul3A_165 : i32
    %dma_start3A_167 = arith.constant 11 : i32
    %dma_start3A_168 = arith.constant 0 : i32
    %dma_start3A_169 = arith.constant 0 : i32
    %dma_start3A_170 = tpu.memref_slice %arg4[%dma_start3A_167, %dma_start3A_168, %dma_start3A_169] : memref<25x8x128xi32, #tpu.memory_space<vmem>> -> memref<1x8x128xi32, #tpu.memory_space<vmem>>
    %dma_start3A_171 = tpu.memref_squeeze %dma_start3A_170 : memref<1x8x128xi32, #tpu.memory_space<vmem>> -> memref<8x128xi32, #tpu.memory_space<vmem>>
    %dma_start3A_172 = arith.constant 88 : i32
    %dma_start3A_173 = tpu.memref_slice %arg2[%dma_start3A_172, %mul3A_166] : memref<200x4096xi32, #tpu.memory_space<hbm>> -> memref<8x128xi32, #tpu.memory_space<hbm>>
    %dma_start3A_174 = arith.constant 0 : i32
    %dma_start3A_175 = arith.constant 0 : i32
    %dma_start3A_176 = tpu.memref_slice %arg4[%dma_start3A_167, %dma_start3A_174, %dma_start3A_175] : memref<25x8x128xi32, #tpu.memory_space<vmem>> -> memref<1x8x128xi32, #tpu.memory_space<vmem>>
    %dma_start3A_177 = tpu.memref_squeeze %dma_start3A_176 : memref<1x8x128xi32, #tpu.memory_space<vmem>> -> memref<8x128xi32, #tpu.memory_space<vmem>>
    %dma_start3A_178 = arith.constant 88 : i32
    %dma_start3A_179 = tpu.memref_slice %arg2[%dma_start3A_178, %mul3A_166] : memref<200x4096xi32, #tpu.memory_space<hbm>> -> memref<8x128xi32, #tpu.memory_space<hbm>>
    tpu.enqueue_dma source(%dma_start3A_179 : memref<8x128xi32, #tpu.memory_space<hbm>>) target(%dma_start3A_177 : memref<8x128xi32, #tpu.memory_space<vmem>>) target_semaphore(%arg5 : memref<!tpu.dma_semaphore, #tpu.memory_space<semaphore_mem>>)
    %mul3A_180 = arith.constant 128 : i32
    %mul3A_181 = arith.muli %add3A, %mul3A_180 : i32
    %dma_start3A_182 = arith.constant 12 : i32
    %dma_start3A_183 = arith.constant 0 : i32
    %dma_start3A_184 = arith.constant 0 : i32
    %dma_start3A_185 = tpu.memref_slice %arg4[%dma_start3A_182, %dma_start3A_183, %dma_start3A_184] : memref<25x8x128xi32, #tpu.memory_space<vmem>> -> memref<1x8x128xi32, #tpu.memory_space<vmem>>
    %dma_start3A_186 = tpu.memref_squeeze %dma_start3A_185 : memref<1x8x128xi32, #tpu.memory_space<vmem>> -> memref<8x128xi32, #tpu.memory_space<vmem>>
    %dma_start3A_187 = arith.constant 96 : i32
    %dma_start3A_188 = tpu.memref_slice %arg2[%dma_start3A_187, %mul3A_181] : memref<200x4096xi32, #tpu.memory_space<hbm>> -> memref<8x128xi32, #tpu.memory_space<hbm>>
    %dma_start3A_189 = arith.constant 0 : i32
    %dma_start3A_190 = arith.constant 0 : i32
    %dma_start3A_191 = tpu.memref_slice %arg4[%dma_start3A_182, %dma_start3A_189, %dma_start3A_190] : memref<25x8x128xi32, #tpu.memory_space<vmem>> -> memref<1x8x128xi32, #tpu.memory_space<vmem>>
    %dma_start3A_192 = tpu.memref_squeeze %dma_start3A_191 : memref<1x8x128xi32, #tpu.memory_space<vmem>> -> memref<8x128xi32, #tpu.memory_space<vmem>>
    %dma_start3A_193 = arith.constant 96 : i32
    %dma_start3A_194 = tpu.memref_slice %arg2[%dma_start3A_193, %mul3A_181] : memref<200x4096xi32, #tpu.memory_space<hbm>> -> memref<8x128xi32, #tpu.memory_space<hbm>>
    tpu.enqueue_dma source(%dma_start3A_194 : memref<8x128xi32, #tpu.memory_space<hbm>>) target(%dma_start3A_192 : memref<8x128xi32, #tpu.memory_space<vmem>>) target_semaphore(%arg5 : memref<!tpu.dma_semaphore, #tpu.memory_space<semaphore_mem>>)
    %mul3A_195 = arith.constant 128 : i32
    %mul3A_196 = arith.muli %add3A, %mul3A_195 : i32
    %dma_start3A_197 = arith.constant 13 : i32
    %dma_start3A_198 = arith.constant 0 : i32
    %dma_start3A_199 = arith.constant 0 : i32
    %dma_start3A_200 = tpu.memref_slice %arg4[%dma_start3A_197, %dma_start3A_198, %dma_start3A_199] : memref<25x8x128xi32, #tpu.memory_space<vmem>> -> memref<1x8x128xi32, #tpu.memory_space<vmem>>
    %dma_start3A_201 = tpu.memref_squeeze %dma_start3A_200 : memref<1x8x128xi32, #tpu.memory_space<vmem>> -> memref<8x128xi32, #tpu.memory_space<vmem>>
    %dma_start3A_202 = arith.constant 104 : i32
    %dma_start3A_203 = tpu.memref_slice %arg2[%dma_start3A_202, %mul3A_196] : memref<200x4096xi32, #tpu.memory_space<hbm>> -> memref<8x128xi32, #tpu.memory_space<hbm>>
    %dma_start3A_204 = arith.constant 0 : i32
    %dma_start3A_205 = arith.constant 0 : i32
    %dma_start3A_206 = tpu.memref_slice %arg4[%dma_start3A_197, %dma_start3A_204, %dma_start3A_205] : memref<25x8x128xi32, #tpu.memory_space<vmem>> -> memref<1x8x128xi32, #tpu.memory_space<vmem>>
    %dma_start3A_207 = tpu.memref_squeeze %dma_start3A_206 : memref<1x8x128xi32, #tpu.memory_space<vmem>> -> memref<8x128xi32, #tpu.memory_space<vmem>>
    %dma_start3A_208 = arith.constant 104 : i32
    %dma_start3A_209 = tpu.memref_slice %arg2[%dma_start3A_208, %mul3A_196] : memref<200x4096xi32, #tpu.memory_space<hbm>> -> memref<8x128xi32, #tpu.memory_space<hbm>>
    tpu.enqueue_dma source(%dma_start3A_209 : memref<8x128xi32, #tpu.memory_space<hbm>>) target(%dma_start3A_207 : memref<8x128xi32, #tpu.memory_space<vmem>>) target_semaphore(%arg5 : memref<!tpu.dma_semaphore, #tpu.memory_space<semaphore_mem>>)
    %mul3A_210 = arith.constant 128 : i32
    %mul3A_211 = arith.muli %add3A, %mul3A_210 : i32
    %dma_start3A_212 = arith.constant 14 : i32
    %dma_start3A_213 = arith.constant 0 : i32
    %dma_start3A_214 = arith.constant 0 : i32
    %dma_start3A_215 = tpu.memref_slice %arg4[%dma_start3A_212, %dma_start3A_213, %dma_start3A_214] : memref<25x8x128xi32, #tpu.memory_space<vmem>> -> memref<1x8x128xi32, #tpu.memory_space<vmem>>
    %dma_start3A_216 = tpu.memref_squeeze %dma_start3A_215 : memref<1x8x128xi32, #tpu.memory_space<vmem>> -> memref<8x128xi32, #tpu.memory_space<vmem>>
    %dma_start3A_217 = arith.constant 112 : i32
    %dma_start3A_218 = tpu.memref_slice %arg2[%dma_start3A_217, %mul3A_211] : memref<200x4096xi32, #tpu.memory_space<hbm>> -> memref<8x128xi32, #tpu.memory_space<hbm>>
    %dma_start3A_219 = arith.constant 0 : i32
    %dma_start3A_220 = arith.constant 0 : i32
    %dma_start3A_221 = tpu.memref_slice %arg4[%dma_start3A_212, %dma_start3A_219, %dma_start3A_220] : memref<25x8x128xi32, #tpu.memory_space<vmem>> -> memref<1x8x128xi32, #tpu.memory_space<vmem>>
    %dma_start3A_222 = tpu.memref_squeeze %dma_start3A_221 : memref<1x8x128xi32, #tpu.memory_space<vmem>> -> memref<8x128xi32, #tpu.memory_space<vmem>>
    %dma_start3A_223 = arith.constant 112 : i32
    %dma_start3A_224 = tpu.memref_slice %arg2[%dma_start3A_223, %mul3A_211] : memref<200x4096xi32, #tpu.memory_space<hbm>> -> memref<8x128xi32, #tpu.memory_space<hbm>>
    tpu.enqueue_dma source(%dma_start3A_224 : memref<8x128xi32, #tpu.memory_space<hbm>>) target(%dma_start3A_222 : memref<8x128xi32, #tpu.memory_space<vmem>>) target_semaphore(%arg5 : memref<!tpu.dma_semaphore, #tpu.memory_space<semaphore_mem>>)
    %mul3A_225 = arith.constant 128 : i32
    %mul3A_226 = arith.muli %add3A, %mul3A_225 : i32
    %dma_start3A_227 = arith.constant 15 : i32
    %dma_start3A_228 = arith.constant 0 : i32
    %dma_start3A_229 = arith.constant 0 : i32
    %dma_start3A_230 = tpu.memref_slice %arg4[%dma_start3A_227, %dma_start3A_228, %dma_start3A_229] : memref<25x8x128xi32, #tpu.memory_space<vmem>> -> memref<1x8x128xi32, #tpu.memory_space<vmem>>
    %dma_start3A_231 = tpu.memref_squeeze %dma_start3A_230 : memref<1x8x128xi32, #tpu.memory_space<vmem>> -> memref<8x128xi32, #tpu.memory_space<vmem>>
    %dma_start3A_232 = arith.constant 120 : i32
    %dma_start3A_233 = tpu.memref_slice %arg2[%dma_start3A_232, %mul3A_226] : memref<200x4096xi32, #tpu.memory_space<hbm>> -> memref<8x128xi32, #tpu.memory_space<hbm>>
    %dma_start3A_234 = arith.constant 0 : i32
    %dma_start3A_235 = arith.constant 0 : i32
    %dma_start3A_236 = tpu.memref_slice %arg4[%dma_start3A_227, %dma_start3A_234, %dma_start3A_235] : memref<25x8x128xi32, #tpu.memory_space<vmem>> -> memref<1x8x128xi32, #tpu.memory_space<vmem>>
    %dma_start3A_237 = tpu.memref_squeeze %dma_start3A_236 : memref<1x8x128xi32, #tpu.memory_space<vmem>> -> memref<8x128xi32, #tpu.memory_space<vmem>>
    %dma_start3A_238 = arith.constant 120 : i32
    %dma_start3A_239 = tpu.memref_slice %arg2[%dma_start3A_238, %mul3A_226] : memref<200x4096xi32, #tpu.memory_space<hbm>> -> memref<8x128xi32, #tpu.memory_space<hbm>>
    tpu.enqueue_dma source(%dma_start3A_239 : memref<8x128xi32, #tpu.memory_space<hbm>>) target(%dma_start3A_237 : memref<8x128xi32, #tpu.memory_space<vmem>>) target_semaphore(%arg5 : memref<!tpu.dma_semaphore, #tpu.memory_space<semaphore_mem>>)
    %mul3A_240 = arith.constant 128 : i32
    %mul3A_241 = arith.muli %add3A, %mul3A_240 : i32
    %dma_start3A_242 = arith.constant 16 : i32
    %dma_start3A_243 = arith.constant 0 : i32
    %dma_start3A_244 = arith.constant 0 : i32
    %dma_start3A_245 = tpu.memref_slice %arg4[%dma_start3A_242, %dma_start3A_243, %dma_start3A_244] : memref<25x8x128xi32, #tpu.memory_space<vmem>> -> memref<1x8x128xi32, #tpu.memory_space<vmem>>
    %dma_start3A_246 = tpu.memref_squeeze %dma_start3A_245 : memref<1x8x128xi32, #tpu.memory_space<vmem>> -> memref<8x128xi32, #tpu.memory_space<vmem>>
    %dma_start3A_247 = arith.constant 128 : i32
    %dma_start3A_248 = tpu.memref_slice %arg2[%dma_start3A_247, %mul3A_241] : memref<200x4096xi32, #tpu.memory_space<hbm>> -> memref<8x128xi32, #tpu.memory_space<hbm>>
    %dma_start3A_249 = arith.constant 0 : i32
    %dma_start3A_250 = arith.constant 0 : i32
    %dma_start3A_251 = tpu.memref_slice %arg4[%dma_start3A_242, %dma_start3A_249, %dma_start3A_250] : memref<25x8x128xi32, #tpu.memory_space<vmem>> -> memref<1x8x128xi32, #tpu.memory_space<vmem>>
    %dma_start3A_252 = tpu.memref_squeeze %dma_start3A_251 : memref<1x8x128xi32, #tpu.memory_space<vmem>> -> memref<8x128xi32, #tpu.memory_space<vmem>>
    %dma_start3A_253 = arith.constant 128 : i32
    %dma_start3A_254 = tpu.memref_slice %arg2[%dma_start3A_253, %mul3A_241] : memref<200x4096xi32, #tpu.memory_space<hbm>> -> memref<8x128xi32, #tpu.memory_space<hbm>>
    tpu.enqueue_dma source(%dma_start3A_254 : memref<8x128xi32, #tpu.memory_space<hbm>>) target(%dma_start3A_252 : memref<8x128xi32, #tpu.memory_space<vmem>>) target_semaphore(%arg5 : memref<!tpu.dma_semaphore, #tpu.memory_space<semaphore_mem>>)
    %mul3A_255 = arith.constant 128 : i32
    %mul3A_256 = arith.muli %add3A, %mul3A_255 : i32
    %dma_start3A_257 = arith.constant 17 : i32
    %dma_start3A_258 = arith.constant 0 : i32
    %dma_start3A_259 = arith.constant 0 : i32
    %dma_start3A_260 = tpu.memref_slice %arg4[%dma_start3A_257, %dma_start3A_258, %dma_start3A_259] : memref<25x8x128xi32, #tpu.memory_space<vmem>> -> memref<1x8x128xi32, #tpu.memory_space<vmem>>
    %dma_start3A_261 = tpu.memref_squeeze %dma_start3A_260 : memref<1x8x128xi32, #tpu.memory_space<vmem>> -> memref<8x128xi32, #tpu.memory_space<vmem>>
    %dma_start3A_262 = arith.constant 136 : i32
    %dma_start3A_263 = tpu.memref_slice %arg2[%dma_start3A_262, %mul3A_256] : memref<200x4096xi32, #tpu.memory_space<hbm>> -> memref<8x128xi32, #tpu.memory_space<hbm>>
    %dma_start3A_264 = arith.constant 0 : i32
    %dma_start3A_265 = arith.constant 0 : i32
    %dma_start3A_266 = tpu.memref_slice %arg4[%dma_start3A_257, %dma_start3A_264, %dma_start3A_265] : memref<25x8x128xi32, #tpu.memory_space<vmem>> -> memref<1x8x128xi32, #tpu.memory_space<vmem>>
    %dma_start3A_267 = tpu.memref_squeeze %dma_start3A_266 : memref<1x8x128xi32, #tpu.memory_space<vmem>> -> memref<8x128xi32, #tpu.memory_space<vmem>>
    %dma_start3A_268 = arith.constant 136 : i32
    %dma_start3A_269 = tpu.memref_slice %arg2[%dma_start3A_268, %mul3A_256] : memref<200x4096xi32, #tpu.memory_space<hbm>> -> memref<8x128xi32, #tpu.memory_space<hbm>>
    tpu.enqueue_dma source(%dma_start3A_269 : memref<8x128xi32, #tpu.memory_space<hbm>>) target(%dma_start3A_267 : memref<8x128xi32, #tpu.memory_space<vmem>>) target_semaphore(%arg5 : memref<!tpu.dma_semaphore, #tpu.memory_space<semaphore_mem>>)
    %mul3A_270 = arith.constant 128 : i32
    %mul3A_271 = arith.muli %add3A, %mul3A_270 : i32
    %dma_start3A_272 = arith.constant 18 : i32
    %dma_start3A_273 = arith.constant 0 : i32
    %dma_start3A_274 = arith.constant 0 : i32
    %dma_start3A_275 = tpu.memref_slice %arg4[%dma_start3A_272, %dma_start3A_273, %dma_start3A_274] : memref<25x8x128xi32, #tpu.memory_space<vmem>> -> memref<1x8x128xi32, #tpu.memory_space<vmem>>
    %dma_start3A_276 = tpu.memref_squeeze %dma_start3A_275 : memref<1x8x128xi32, #tpu.memory_space<vmem>> -> memref<8x128xi32, #tpu.memory_space<vmem>>
    %dma_start3A_277 = arith.constant 144 : i32
    %dma_start3A_278 = tpu.memref_slice %arg2[%dma_start3A_277, %mul3A_271] : memref<200x4096xi32, #tpu.memory_space<hbm>> -> memref<8x128xi32, #tpu.memory_space<hbm>>
    %dma_start3A_279 = arith.constant 0 : i32
    %dma_start3A_280 = arith.constant 0 : i32
    %dma_start3A_281 = tpu.memref_slice %arg4[%dma_start3A_272, %dma_start3A_279, %dma_start3A_280] : memref<25x8x128xi32, #tpu.memory_space<vmem>> -> memref<1x8x128xi32, #tpu.memory_space<vmem>>
    %dma_start3A_282 = tpu.memref_squeeze %dma_start3A_281 : memref<1x8x128xi32, #tpu.memory_space<vmem>> -> memref<8x128xi32, #tpu.memory_space<vmem>>
    %dma_start3A_283 = arith.constant 144 : i32
    %dma_start3A_284 = tpu.memref_slice %arg2[%dma_start3A_283, %mul3A_271] : memref<200x4096xi32, #tpu.memory_space<hbm>> -> memref<8x128xi32, #tpu.memory_space<hbm>>
    tpu.enqueue_dma source(%dma_start3A_284 : memref<8x128xi32, #tpu.memory_space<hbm>>) target(%dma_start3A_282 : memref<8x128xi32, #tpu.memory_space<vmem>>) target_semaphore(%arg5 : memref<!tpu.dma_semaphore, #tpu.memory_space<semaphore_mem>>)
    %mul3A_285 = arith.constant 128 : i32
    %mul3A_286 = arith.muli %add3A, %mul3A_285 : i32
    %dma_start3A_287 = arith.constant 19 : i32
    %dma_start3A_288 = arith.constant 0 : i32
    %dma_start3A_289 = arith.constant 0 : i32
    %dma_start3A_290 = tpu.memref_slice %arg4[%dma_start3A_287, %dma_start3A_288, %dma_start3A_289] : memref<25x8x128xi32, #tpu.memory_space<vmem>> -> memref<1x8x128xi32, #tpu.memory_space<vmem>>
    %dma_start3A_291 = tpu.memref_squeeze %dma_start3A_290 : memref<1x8x128xi32, #tpu.memory_space<vmem>> -> memref<8x128xi32, #tpu.memory_space<vmem>>
    %dma_start3A_292 = arith.constant 152 : i32
    %dma_start3A_293 = tpu.memref_slice %arg2[%dma_start3A_292, %mul3A_286] : memref<200x4096xi32, #tpu.memory_space<hbm>> -> memref<8x128xi32, #tpu.memory_space<hbm>>
    %dma_start3A_294 = arith.constant 0 : i32
    %dma_start3A_295 = arith.constant 0 : i32
    %dma_start3A_296 = tpu.memref_slice %arg4[%dma_start3A_287, %dma_start3A_294, %dma_start3A_295] : memref<25x8x128xi32, #tpu.memory_space<vmem>> -> memref<1x8x128xi32, #tpu.memory_space<vmem>>
    %dma_start3A_297 = tpu.memref_squeeze %dma_start3A_296 : memref<1x8x128xi32, #tpu.memory_space<vmem>> -> memref<8x128xi32, #tpu.memory_space<vmem>>
    %dma_start3A_298 = arith.constant 152 : i32
    %dma_start3A_299 = tpu.memref_slice %arg2[%dma_start3A_298, %mul3A_286] : memref<200x4096xi32, #tpu.memory_space<hbm>> -> memref<8x128xi32, #tpu.memory_space<hbm>>
    tpu.enqueue_dma source(%dma_start3A_299 : memref<8x128xi32, #tpu.memory_space<hbm>>) target(%dma_start3A_297 : memref<8x128xi32, #tpu.memory_space<vmem>>) target_semaphore(%arg5 : memref<!tpu.dma_semaphore, #tpu.memory_space<semaphore_mem>>)
    %mul3A_300 = arith.constant 128 : i32
    %mul3A_301 = arith.muli %add3A, %mul3A_300 : i32
    %dma_start3A_302 = arith.constant 20 : i32
    %dma_start3A_303 = arith.constant 0 : i32
    %dma_start3A_304 = arith.constant 0 : i32
    %dma_start3A_305 = tpu.memref_slice %arg4[%dma_start3A_302, %dma_start3A_303, %dma_start3A_304] : memref<25x8x128xi32, #tpu.memory_space<vmem>> -> memref<1x8x128xi32, #tpu.memory_space<vmem>>
    %dma_start3A_306 = tpu.memref_squeeze %dma_start3A_305 : memref<1x8x128xi32, #tpu.memory_space<vmem>> -> memref<8x128xi32, #tpu.memory_space<vmem>>
    %dma_start3A_307 = arith.constant 160 : i32
    %dma_start3A_308 = tpu.memref_slice %arg2[%dma_start3A_307, %mul3A_301] : memref<200x4096xi32, #tpu.memory_space<hbm>> -> memref<8x128xi32, #tpu.memory_space<hbm>>
    %dma_start3A_309 = arith.constant 0 : i32
    %dma_start3A_310 = arith.constant 0 : i32
    %dma_start3A_311 = tpu.memref_slice %arg4[%dma_start3A_302, %dma_start3A_309, %dma_start3A_310] : memref<25x8x128xi32, #tpu.memory_space<vmem>> -> memref<1x8x128xi32, #tpu.memory_space<vmem>>
    %dma_start3A_312 = tpu.memref_squeeze %dma_start3A_311 : memref<1x8x128xi32, #tpu.memory_space<vmem>> -> memref<8x128xi32, #tpu.memory_space<vmem>>
    %dma_start3A_313 = arith.constant 160 : i32
    %dma_start3A_314 = tpu.memref_slice %arg2[%dma_start3A_313, %mul3A_301] : memref<200x4096xi32, #tpu.memory_space<hbm>> -> memref<8x128xi32, #tpu.memory_space<hbm>>
    tpu.enqueue_dma source(%dma_start3A_314 : memref<8x128xi32, #tpu.memory_space<hbm>>) target(%dma_start3A_312 : memref<8x128xi32, #tpu.memory_space<vmem>>) target_semaphore(%arg5 : memref<!tpu.dma_semaphore, #tpu.memory_space<semaphore_mem>>)
    %mul3A_315 = arith.constant 128 : i32
    %mul3A_316 = arith.muli %add3A, %mul3A_315 : i32
    %dma_start3A_317 = arith.constant 21 : i32
    %dma_start3A_318 = arith.constant 0 : i32
    %dma_start3A_319 = arith.constant 0 : i32
    %dma_start3A_320 = tpu.memref_slice %arg4[%dma_start3A_317, %dma_start3A_318, %dma_start3A_319] : memref<25x8x128xi32, #tpu.memory_space<vmem>> -> memref<1x8x128xi32, #tpu.memory_space<vmem>>
    %dma_start3A_321 = tpu.memref_squeeze %dma_start3A_320 : memref<1x8x128xi32, #tpu.memory_space<vmem>> -> memref<8x128xi32, #tpu.memory_space<vmem>>
    %dma_start3A_322 = arith.constant 168 : i32
    %dma_start3A_323 = tpu.memref_slice %arg2[%dma_start3A_322, %mul3A_316] : memref<200x4096xi32, #tpu.memory_space<hbm>> -> memref<8x128xi32, #tpu.memory_space<hbm>>
    %dma_start3A_324 = arith.constant 0 : i32
    %dma_start3A_325 = arith.constant 0 : i32
    %dma_start3A_326 = tpu.memref_slice %arg4[%dma_start3A_317, %dma_start3A_324, %dma_start3A_325] : memref<25x8x128xi32, #tpu.memory_space<vmem>> -> memref<1x8x128xi32, #tpu.memory_space<vmem>>
    %dma_start3A_327 = tpu.memref_squeeze %dma_start3A_326 : memref<1x8x128xi32, #tpu.memory_space<vmem>> -> memref<8x128xi32, #tpu.memory_space<vmem>>
    %dma_start3A_328 = arith.constant 168 : i32
    %dma_start3A_329 = tpu.memref_slice %arg2[%dma_start3A_328, %mul3A_316] : memref<200x4096xi32, #tpu.memory_space<hbm>> -> memref<8x128xi32, #tpu.memory_space<hbm>>
    tpu.enqueue_dma source(%dma_start3A_329 : memref<8x128xi32, #tpu.memory_space<hbm>>) target(%dma_start3A_327 : memref<8x128xi32, #tpu.memory_space<vmem>>) target_semaphore(%arg5 : memref<!tpu.dma_semaphore, #tpu.memory_space<semaphore_mem>>)
    %mul3A_330 = arith.constant 128 : i32
    %mul3A_331 = arith.muli %add3A, %mul3A_330 : i32
    %dma_start3A_332 = arith.constant 22 : i32
    %dma_start3A_333 = arith.constant 0 : i32
    %dma_start3A_334 = arith.constant 0 : i32
    %dma_start3A_335 = tpu.memref_slice %arg4[%dma_start3A_332, %dma_start3A_333, %dma_start3A_334] : memref<25x8x128xi32, #tpu.memory_space<vmem>> -> memref<1x8x128xi32, #tpu.memory_space<vmem>>
    %dma_start3A_336 = tpu.memref_squeeze %dma_start3A_335 : memref<1x8x128xi32, #tpu.memory_space<vmem>> -> memref<8x128xi32, #tpu.memory_space<vmem>>
    %dma_start3A_337 = arith.constant 176 : i32
    %dma_start3A_338 = tpu.memref_slice %arg2[%dma_start3A_337, %mul3A_331] : memref<200x4096xi32, #tpu.memory_space<hbm>> -> memref<8x128xi32, #tpu.memory_space<hbm>>
    %dma_start3A_339 = arith.constant 0 : i32
    %dma_start3A_340 = arith.constant 0 : i32
    %dma_start3A_341 = tpu.memref_slice %arg4[%dma_start3A_332, %dma_start3A_339, %dma_start3A_340] : memref<25x8x128xi32, #tpu.memory_space<vmem>> -> memref<1x8x128xi32, #tpu.memory_space<vmem>>
    %dma_start3A_342 = tpu.memref_squeeze %dma_start3A_341 : memref<1x8x128xi32, #tpu.memory_space<vmem>> -> memref<8x128xi32, #tpu.memory_space<vmem>>
    %dma_start3A_343 = arith.constant 176 : i32
    %dma_start3A_344 = tpu.memref_slice %arg2[%dma_start3A_343, %mul3A_331] : memref<200x4096xi32, #tpu.memory_space<hbm>> -> memref<8x128xi32, #tpu.memory_space<hbm>>
    tpu.enqueue_dma source(%dma_start3A_344 : memref<8x128xi32, #tpu.memory_space<hbm>>) target(%dma_start3A_342 : memref<8x128xi32, #tpu.memory_space<vmem>>) target_semaphore(%arg5 : memref<!tpu.dma_semaphore, #tpu.memory_space<semaphore_mem>>)
    %mul3A_345 = arith.constant 128 : i32
    %mul3A_346 = arith.muli %add3A, %mul3A_345 : i32
    %dma_start3A_347 = arith.constant 23 : i32
    %dma_start3A_348 = arith.constant 0 : i32
    %dma_start3A_349 = arith.constant 0 : i32
    %dma_start3A_350 = tpu.memref_slice %arg4[%dma_start3A_347, %dma_start3A_348, %dma_start3A_349] : memref<25x8x128xi32, #tpu.memory_space<vmem>> -> memref<1x8x128xi32, #tpu.memory_space<vmem>>
    %dma_start3A_351 = tpu.memref_squeeze %dma_start3A_350 : memref<1x8x128xi32, #tpu.memory_space<vmem>> -> memref<8x128xi32, #tpu.memory_space<vmem>>
    %dma_start3A_352 = arith.constant 184 : i32
    %dma_start3A_353 = tpu.memref_slice %arg2[%dma_start3A_352, %mul3A_346] : memref<200x4096xi32, #tpu.memory_space<hbm>> -> memref<8x128xi32, #tpu.memory_space<hbm>>
    %dma_start3A_354 = arith.constant 0 : i32
    %dma_start3A_355 = arith.constant 0 : i32
    %dma_start3A_356 = tpu.memref_slice %arg4[%dma_start3A_347, %dma_start3A_354, %dma_start3A_355] : memref<25x8x128xi32, #tpu.memory_space<vmem>> -> memref<1x8x128xi32, #tpu.memory_space<vmem>>
    %dma_start3A_357 = tpu.memref_squeeze %dma_start3A_356 : memref<1x8x128xi32, #tpu.memory_space<vmem>> -> memref<8x128xi32, #tpu.memory_space<vmem>>
    %dma_start3A_358 = arith.constant 184 : i32
    %dma_start3A_359 = tpu.memref_slice %arg2[%dma_start3A_358, %mul3A_346] : memref<200x4096xi32, #tpu.memory_space<hbm>> -> memref<8x128xi32, #tpu.memory_space<hbm>>
    tpu.enqueue_dma source(%dma_start3A_359 : memref<8x128xi32, #tpu.memory_space<hbm>>) target(%dma_start3A_357 : memref<8x128xi32, #tpu.memory_space<vmem>>) target_semaphore(%arg5 : memref<!tpu.dma_semaphore, #tpu.memory_space<semaphore_mem>>)
    %mul3A_360 = arith.constant 128 : i32
    %mul3A_361 = arith.muli %add3A, %mul3A_360 : i32
    %dma_start3A_362 = arith.constant 24 : i32
    %dma_start3A_363 = arith.constant 0 : i32
    %dma_start3A_364 = arith.constant 0 : i32
    %dma_start3A_365 = tpu.memref_slice %arg4[%dma_start3A_362, %dma_start3A_363, %dma_start3A_364] : memref<25x8x128xi32, #tpu.memory_space<vmem>> -> memref<1x8x128xi32, #tpu.memory_space<vmem>>
    %dma_start3A_366 = tpu.memref_squeeze %dma_start3A_365 : memref<1x8x128xi32, #tpu.memory_space<vmem>> -> memref<8x128xi32, #tpu.memory_space<vmem>>
    %dma_start3A_367 = arith.constant 192 : i32
    %dma_start3A_368 = tpu.memref_slice %arg2[%dma_start3A_367, %mul3A_361] : memref<200x4096xi32, #tpu.memory_space<hbm>> -> memref<8x128xi32, #tpu.memory_space<hbm>>
    %dma_start3A_369 = arith.constant 0 : i32
    %dma_start3A_370 = arith.constant 0 : i32
    %dma_start3A_371 = tpu.memref_slice %arg4[%dma_start3A_362, %dma_start3A_369, %dma_start3A_370] : memref<25x8x128xi32, #tpu.memory_space<vmem>> -> memref<1x8x128xi32, #tpu.memory_space<vmem>>
    %dma_start3A_372 = tpu.memref_squeeze %dma_start3A_371 : memref<1x8x128xi32, #tpu.memory_space<vmem>> -> memref<8x128xi32, #tpu.memory_space<vmem>>
    %dma_start3A_373 = arith.constant 192 : i32
    %dma_start3A_374 = tpu.memref_slice %arg2[%dma_start3A_373, %mul3A_361] : memref<200x4096xi32, #tpu.memory_space<hbm>> -> memref<8x128xi32, #tpu.memory_space<hbm>>
    tpu.enqueue_dma source(%dma_start3A_374 : memref<8x128xi32, #tpu.memory_space<hbm>>) target(%dma_start3A_372 : memref<8x128xi32, #tpu.memory_space<vmem>>) target_semaphore(%arg5 : memref<!tpu.dma_semaphore, #tpu.memory_space<semaphore_mem>>)
    %dma_wait3A = arith.constant 0 : i32
    %dma_wait3A_375 = arith.constant 0 : i32
    %dma_wait3A_376 = arith.constant 0 : i32
    %dma_wait3A_377 = tpu.memref_slice %arg4[%dma_wait3A, %dma_wait3A_375, %dma_wait3A_376] : memref<25x8x128xi32, #tpu.memory_space<vmem>> -> memref<1x8x128xi32, #tpu.memory_space<vmem>>
    %dma_wait3A_378 = tpu.memref_squeeze %dma_wait3A_377 : memref<1x8x128xi32, #tpu.memory_space<vmem>> -> memref<8x128xi32, #tpu.memory_space<vmem>>
    %dma_wait3A_379 = arith.constant 0 : i32
    %dma_wait3A_380 = tpu.memref_slice %arg2[%dma_wait3A_379, %mul3A_2] : memref<200x4096xi32, #tpu.memory_space<hbm>> -> memref<8x128xi32, #tpu.memory_space<hbm>>
    %dma_wait3A_381 = arith.constant 0 : i32
    %dma_wait3A_382 = arith.constant 0 : i32
    %dma_wait3A_383 = tpu.memref_slice %arg4[%dma_wait3A, %dma_wait3A_381, %dma_wait3A_382] : memref<25x8x128xi32, #tpu.memory_space<vmem>> -> memref<1x8x128xi32, #tpu.memory_space<vmem>>
    %dma_wait3A_384 = tpu.memref_squeeze %dma_wait3A_383 : memref<1x8x128xi32, #tpu.memory_space<vmem>> -> memref<8x128xi32, #tpu.memory_space<vmem>>
    %dma_wait3A_385 = arith.constant 0 : i32
    %dma_wait3A_386 = tpu.memref_slice %arg2[%dma_wait3A_385, %mul3A_2] : memref<200x4096xi32, #tpu.memory_space<hbm>> -> memref<8x128xi32, #tpu.memory_space<hbm>>
    tpu.wait_dma2 semaphore(%arg5 : memref<!tpu.dma_semaphore, #tpu.memory_space<semaphore_mem>>) src(%dma_wait3A_386 : memref<8x128xi32, #tpu.memory_space<hbm>>) dst(%dma_wait3A_384 : memref<8x128xi32, #tpu.memory_space<vmem>>)
    %dma_wait3A_387 = arith.constant 1 : i32
    %dma_wait3A_388 = arith.constant 0 : i32
    %dma_wait3A_389 = arith.constant 0 : i32
    %dma_wait3A_390 = tpu.memref_slice %arg4[%dma_wait3A_387, %dma_wait3A_388, %dma_wait3A_389] : memref<25x8x128xi32, #tpu.memory_space<vmem>> -> memref<1x8x128xi32, #tpu.memory_space<vmem>>
    %dma_wait3A_391 = tpu.memref_squeeze %dma_wait3A_390 : memref<1x8x128xi32, #tpu.memory_space<vmem>> -> memref<8x128xi32, #tpu.memory_space<vmem>>
    %dma_wait3A_392 = arith.constant 8 : i32
    %dma_wait3A_393 = tpu.memref_slice %arg2[%dma_wait3A_392, %mul3A_16] : memref<200x4096xi32, #tpu.memory_space<hbm>> -> memref<8x128xi32, #tpu.memory_space<hbm>>
    %dma_wait3A_394 = arith.constant 0 : i32
    %dma_wait3A_395 = arith.constant 0 : i32
    %dma_wait3A_396 = tpu.memref_slice %arg4[%dma_wait3A_387, %dma_wait3A_394, %dma_wait3A_395] : memref<25x8x128xi32, #tpu.memory_space<vmem>> -> memref<1x8x128xi32, #tpu.memory_space<vmem>>
    %dma_wait3A_397 = tpu.memref_squeeze %dma_wait3A_396 : memref<1x8x128xi32, #tpu.memory_space<vmem>> -> memref<8x128xi32, #tpu.memory_space<vmem>>
    %dma_wait3A_398 = arith.constant 8 : i32
    %dma_wait3A_399 = tpu.memref_slice %arg2[%dma_wait3A_398, %mul3A_16] : memref<200x4096xi32, #tpu.memory_space<hbm>> -> memref<8x128xi32, #tpu.memory_space<hbm>>
    tpu.wait_dma2 semaphore(%arg5 : memref<!tpu.dma_semaphore, #tpu.memory_space<semaphore_mem>>) src(%dma_wait3A_399 : memref<8x128xi32, #tpu.memory_space<hbm>>) dst(%dma_wait3A_397 : memref<8x128xi32, #tpu.memory_space<vmem>>)
    %dma_wait3A_400 = arith.constant 2 : i32
    %dma_wait3A_401 = arith.constant 0 : i32
    %dma_wait3A_402 = arith.constant 0 : i32
    %dma_wait3A_403 = tpu.memref_slice %arg4[%dma_wait3A_400, %dma_wait3A_401, %dma_wait3A_402] : memref<25x8x128xi32, #tpu.memory_space<vmem>> -> memref<1x8x128xi32, #tpu.memory_space<vmem>>
    %dma_wait3A_404 = tpu.memref_squeeze %dma_wait3A_403 : memref<1x8x128xi32, #tpu.memory_space<vmem>> -> memref<8x128xi32, #tpu.memory_space<vmem>>
    %dma_wait3A_405 = arith.constant 16 : i32
    %dma_wait3A_406 = tpu.memref_slice %arg2[%dma_wait3A_405, %mul3A_31] : memref<200x4096xi32, #tpu.memory_space<hbm>> -> memref<8x128xi32, #tpu.memory_space<hbm>>
    %dma_wait3A_407 = arith.constant 0 : i32
    %dma_wait3A_408 = arith.constant 0 : i32
    %dma_wait3A_409 = tpu.memref_slice %arg4[%dma_wait3A_400, %dma_wait3A_407, %dma_wait3A_408] : memref<25x8x128xi32, #tpu.memory_space<vmem>> -> memref<1x8x128xi32, #tpu.memory_space<vmem>>
    %dma_wait3A_410 = tpu.memref_squeeze %dma_wait3A_409 : memref<1x8x128xi32, #tpu.memory_space<vmem>> -> memref<8x128xi32, #tpu.memory_space<vmem>>
    %dma_wait3A_411 = arith.constant 16 : i32
    %dma_wait3A_412 = tpu.memref_slice %arg2[%dma_wait3A_411, %mul3A_31] : memref<200x4096xi32, #tpu.memory_space<hbm>> -> memref<8x128xi32, #tpu.memory_space<hbm>>
    tpu.wait_dma2 semaphore(%arg5 : memref<!tpu.dma_semaphore, #tpu.memory_space<semaphore_mem>>) src(%dma_wait3A_412 : memref<8x128xi32, #tpu.memory_space<hbm>>) dst(%dma_wait3A_410 : memref<8x128xi32, #tpu.memory_space<vmem>>)
    %dma_wait3A_413 = arith.constant 3 : i32
    %dma_wait3A_414 = arith.constant 0 : i32
    %dma_wait3A_415 = arith.constant 0 : i32
    %dma_wait3A_416 = tpu.memref_slice %arg4[%dma_wait3A_413, %dma_wait3A_414, %dma_wait3A_415] : memref<25x8x128xi32, #tpu.memory_space<vmem>> -> memref<1x8x128xi32, #tpu.memory_space<vmem>>
    %dma_wait3A_417 = tpu.memref_squeeze %dma_wait3A_416 : memref<1x8x128xi32, #tpu.memory_space<vmem>> -> memref<8x128xi32, #tpu.memory_space<vmem>>
    %dma_wait3A_418 = arith.constant 24 : i32
    %dma_wait3A_419 = tpu.memref_slice %arg2[%dma_wait3A_418, %mul3A_46] : memref<200x4096xi32, #tpu.memory_space<hbm>> -> memref<8x128xi32, #tpu.memory_space<hbm>>
    %dma_wait3A_420 = arith.constant 0 : i32
    %dma_wait3A_421 = arith.constant 0 : i32
    %dma_wait3A_422 = tpu.memref_slice %arg4[%dma_wait3A_413, %dma_wait3A_420, %dma_wait3A_421] : memref<25x8x128xi32, #tpu.memory_space<vmem>> -> memref<1x8x128xi32, #tpu.memory_space<vmem>>
    %dma_wait3A_423 = tpu.memref_squeeze %dma_wait3A_422 : memref<1x8x128xi32, #tpu.memory_space<vmem>> -> memref<8x128xi32, #tpu.memory_space<vmem>>
    %dma_wait3A_424 = arith.constant 24 : i32
    %dma_wait3A_425 = tpu.memref_slice %arg2[%dma_wait3A_424, %mul3A_46] : memref<200x4096xi32, #tpu.memory_space<hbm>> -> memref<8x128xi32, #tpu.memory_space<hbm>>
    tpu.wait_dma2 semaphore(%arg5 : memref<!tpu.dma_semaphore, #tpu.memory_space<semaphore_mem>>) src(%dma_wait3A_425 : memref<8x128xi32, #tpu.memory_space<hbm>>) dst(%dma_wait3A_423 : memref<8x128xi32, #tpu.memory_space<vmem>>)
    %dma_wait3A_426 = arith.constant 4 : i32
    %dma_wait3A_427 = arith.constant 0 : i32
    %dma_wait3A_428 = arith.constant 0 : i32
    %dma_wait3A_429 = tpu.memref_slice %arg4[%dma_wait3A_426, %dma_wait3A_427, %dma_wait3A_428] : memref<25x8x128xi32, #tpu.memory_space<vmem>> -> memref<1x8x128xi32, #tpu.memory_space<vmem>>
    %dma_wait3A_430 = tpu.memref_squeeze %dma_wait3A_429 : memref<1x8x128xi32, #tpu.memory_space<vmem>> -> memref<8x128xi32, #tpu.memory_space<vmem>>
    %dma_wait3A_431 = arith.constant 32 : i32
    %dma_wait3A_432 = tpu.memref_slice %arg2[%dma_wait3A_431, %mul3A_61] : memref<200x4096xi32, #tpu.memory_space<hbm>> -> memref<8x128xi32, #tpu.memory_space<hbm>>
    %dma_wait3A_433 = arith.constant 0 : i32
    %dma_wait3A_434 = arith.constant 0 : i32
    %dma_wait3A_435 = tpu.memref_slice %arg4[%dma_wait3A_426, %dma_wait3A_433, %dma_wait3A_434] : memref<25x8x128xi32, #tpu.memory_space<vmem>> -> memref<1x8x128xi32, #tpu.memory_space<vmem>>
    %dma_wait3A_436 = tpu.memref_squeeze %dma_wait3A_435 : memref<1x8x128xi32, #tpu.memory_space<vmem>> -> memref<8x128xi32, #tpu.memory_space<vmem>>
    %dma_wait3A_437 = arith.constant 32 : i32
    %dma_wait3A_438 = tpu.memref_slice %arg2[%dma_wait3A_437, %mul3A_61] : memref<200x4096xi32, #tpu.memory_space<hbm>> -> memref<8x128xi32, #tpu.memory_space<hbm>>
    tpu.wait_dma2 semaphore(%arg5 : memref<!tpu.dma_semaphore, #tpu.memory_space<semaphore_mem>>) src(%dma_wait3A_438 : memref<8x128xi32, #tpu.memory_space<hbm>>) dst(%dma_wait3A_436 : memref<8x128xi32, #tpu.memory_space<vmem>>)
    %dma_wait3A_439 = arith.constant 5 : i32
    %dma_wait3A_440 = arith.constant 0 : i32
    %dma_wait3A_441 = arith.constant 0 : i32
    %dma_wait3A_442 = tpu.memref_slice %arg4[%dma_wait3A_439, %dma_wait3A_440, %dma_wait3A_441] : memref<25x8x128xi32, #tpu.memory_space<vmem>> -> memref<1x8x128xi32, #tpu.memory_space<vmem>>
    %dma_wait3A_443 = tpu.memref_squeeze %dma_wait3A_442 : memref<1x8x128xi32, #tpu.memory_space<vmem>> -> memref<8x128xi32, #tpu.memory_space<vmem>>
    %dma_wait3A_444 = arith.constant 40 : i32
    %dma_wait3A_445 = tpu.memref_slice %arg2[%dma_wait3A_444, %mul3A_76] : memref<200x4096xi32, #tpu.memory_space<hbm>> -> memref<8x128xi32, #tpu.memory_space<hbm>>
    %dma_wait3A_446 = arith.constant 0 : i32
    %dma_wait3A_447 = arith.constant 0 : i32
    %dma_wait3A_448 = tpu.memref_slice %arg4[%dma_wait3A_439, %dma_wait3A_446, %dma_wait3A_447] : memref<25x8x128xi32, #tpu.memory_space<vmem>> -> memref<1x8x128xi32, #tpu.memory_space<vmem>>
    %dma_wait3A_449 = tpu.memref_squeeze %dma_wait3A_448 : memref<1x8x128xi32, #tpu.memory_space<vmem>> -> memref<8x128xi32, #tpu.memory_space<vmem>>
    %dma_wait3A_450 = arith.constant 40 : i32
    %dma_wait3A_451 = tpu.memref_slice %arg2[%dma_wait3A_450, %mul3A_76] : memref<200x4096xi32, #tpu.memory_space<hbm>> -> memref<8x128xi32, #tpu.memory_space<hbm>>
    tpu.wait_dma2 semaphore(%arg5 : memref<!tpu.dma_semaphore, #tpu.memory_space<semaphore_mem>>) src(%dma_wait3A_451 : memref<8x128xi32, #tpu.memory_space<hbm>>) dst(%dma_wait3A_449 : memref<8x128xi32, #tpu.memory_space<vmem>>)
    %dma_wait3A_452 = arith.constant 6 : i32
    %dma_wait3A_453 = arith.constant 0 : i32
    %dma_wait3A_454 = arith.constant 0 : i32
    %dma_wait3A_455 = tpu.memref_slice %arg4[%dma_wait3A_452, %dma_wait3A_453, %dma_wait3A_454] : memref<25x8x128xi32, #tpu.memory_space<vmem>> -> memref<1x8x128xi32, #tpu.memory_space<vmem>>
    %dma_wait3A_456 = tpu.memref_squeeze %dma_wait3A_455 : memref<1x8x128xi32, #tpu.memory_space<vmem>> -> memref<8x128xi32, #tpu.memory_space<vmem>>
    %dma_wait3A_457 = arith.constant 48 : i32
    %dma_wait3A_458 = tpu.memref_slice %arg2[%dma_wait3A_457, %mul3A_91] : memref<200x4096xi32, #tpu.memory_space<hbm>> -> memref<8x128xi32, #tpu.memory_space<hbm>>
    %dma_wait3A_459 = arith.constant 0 : i32
    %dma_wait3A_460 = arith.constant 0 : i32
    %dma_wait3A_461 = tpu.memref_slice %arg4[%dma_wait3A_452, %dma_wait3A_459, %dma_wait3A_460] : memref<25x8x128xi32, #tpu.memory_space<vmem>> -> memref<1x8x128xi32, #tpu.memory_space<vmem>>
    %dma_wait3A_462 = tpu.memref_squeeze %dma_wait3A_461 : memref<1x8x128xi32, #tpu.memory_space<vmem>> -> memref<8x128xi32, #tpu.memory_space<vmem>>
    %dma_wait3A_463 = arith.constant 48 : i32
    %dma_wait3A_464 = tpu.memref_slice %arg2[%dma_wait3A_463, %mul3A_91] : memref<200x4096xi32, #tpu.memory_space<hbm>> -> memref<8x128xi32, #tpu.memory_space<hbm>>
    tpu.wait_dma2 semaphore(%arg5 : memref<!tpu.dma_semaphore, #tpu.memory_space<semaphore_mem>>) src(%dma_wait3A_464 : memref<8x128xi32, #tpu.memory_space<hbm>>) dst(%dma_wait3A_462 : memref<8x128xi32, #tpu.memory_space<vmem>>)
    %dma_wait3A_465 = arith.constant 7 : i32
    %dma_wait3A_466 = arith.constant 0 : i32
    %dma_wait3A_467 = arith.constant 0 : i32
    %dma_wait3A_468 = tpu.memref_slice %arg4[%dma_wait3A_465, %dma_wait3A_466, %dma_wait3A_467] : memref<25x8x128xi32, #tpu.memory_space<vmem>> -> memref<1x8x128xi32, #tpu.memory_space<vmem>>
    %dma_wait3A_469 = tpu.memref_squeeze %dma_wait3A_468 : memref<1x8x128xi32, #tpu.memory_space<vmem>> -> memref<8x128xi32, #tpu.memory_space<vmem>>
    %dma_wait3A_470 = arith.constant 56 : i32
    %dma_wait3A_471 = tpu.memref_slice %arg2[%dma_wait3A_470, %mul3A_106] : memref<200x4096xi32, #tpu.memory_space<hbm>> -> memref<8x128xi32, #tpu.memory_space<hbm>>
    %dma_wait3A_472 = arith.constant 0 : i32
    %dma_wait3A_473 = arith.constant 0 : i32
    %dma_wait3A_474 = tpu.memref_slice %arg4[%dma_wait3A_465, %dma_wait3A_472, %dma_wait3A_473] : memref<25x8x128xi32, #tpu.memory_space<vmem>> -> memref<1x8x128xi32, #tpu.memory_space<vmem>>
    %dma_wait3A_475 = tpu.memref_squeeze %dma_wait3A_474 : memref<1x8x128xi32, #tpu.memory_space<vmem>> -> memref<8x128xi32, #tpu.memory_space<vmem>>
    %dma_wait3A_476 = arith.constant 56 : i32
    %dma_wait3A_477 = tpu.memref_slice %arg2[%dma_wait3A_476, %mul3A_106] : memref<200x4096xi32, #tpu.memory_space<hbm>> -> memref<8x128xi32, #tpu.memory_space<hbm>>
    tpu.wait_dma2 semaphore(%arg5 : memref<!tpu.dma_semaphore, #tpu.memory_space<semaphore_mem>>) src(%dma_wait3A_477 : memref<8x128xi32, #tpu.memory_space<hbm>>) dst(%dma_wait3A_475 : memref<8x128xi32, #tpu.memory_space<vmem>>)
    %dma_wait3A_478 = arith.constant 8 : i32
    %dma_wait3A_479 = arith.constant 0 : i32
    %dma_wait3A_480 = arith.constant 0 : i32
    %dma_wait3A_481 = tpu.memref_slice %arg4[%dma_wait3A_478, %dma_wait3A_479, %dma_wait3A_480] : memref<25x8x128xi32, #tpu.memory_space<vmem>> -> memref<1x8x128xi32, #tpu.memory_space<vmem>>
    %dma_wait3A_482 = tpu.memref_squeeze %dma_wait3A_481 : memref<1x8x128xi32, #tpu.memory_space<vmem>> -> memref<8x128xi32, #tpu.memory_space<vmem>>
    %dma_wait3A_483 = arith.constant 64 : i32
    %dma_wait3A_484 = tpu.memref_slice %arg2[%dma_wait3A_483, %mul3A_121] : memref<200x4096xi32, #tpu.memory_space<hbm>> -> memref<8x128xi32, #tpu.memory_space<hbm>>
    %dma_wait3A_485 = arith.constant 0 : i32
    %dma_wait3A_486 = arith.constant 0 : i32
    %dma_wait3A_487 = tpu.memref_slice %arg4[%dma_wait3A_478, %dma_wait3A_485, %dma_wait3A_486] : memref<25x8x128xi32, #tpu.memory_space<vmem>> -> memref<1x8x128xi32, #tpu.memory_space<vmem>>
    %dma_wait3A_488 = tpu.memref_squeeze %dma_wait3A_487 : memref<1x8x128xi32, #tpu.memory_space<vmem>> -> memref<8x128xi32, #tpu.memory_space<vmem>>
    %dma_wait3A_489 = arith.constant 64 : i32
    %dma_wait3A_490 = tpu.memref_slice %arg2[%dma_wait3A_489, %mul3A_121] : memref<200x4096xi32, #tpu.memory_space<hbm>> -> memref<8x128xi32, #tpu.memory_space<hbm>>
    tpu.wait_dma2 semaphore(%arg5 : memref<!tpu.dma_semaphore, #tpu.memory_space<semaphore_mem>>) src(%dma_wait3A_490 : memref<8x128xi32, #tpu.memory_space<hbm>>) dst(%dma_wait3A_488 : memref<8x128xi32, #tpu.memory_space<vmem>>)
    %dma_wait3A_491 = arith.constant 9 : i32
    %dma_wait3A_492 = arith.constant 0 : i32
    %dma_wait3A_493 = arith.constant 0 : i32
    %dma_wait3A_494 = tpu.memref_slice %arg4[%dma_wait3A_491, %dma_wait3A_492, %dma_wait3A_493] : memref<25x8x128xi32, #tpu.memory_space<vmem>> -> memref<1x8x128xi32, #tpu.memory_space<vmem>>
    %dma_wait3A_495 = tpu.memref_squeeze %dma_wait3A_494 : memref<1x8x128xi32, #tpu.memory_space<vmem>> -> memref<8x128xi32, #tpu.memory_space<vmem>>
    %dma_wait3A_496 = arith.constant 72 : i32
    %dma_wait3A_497 = tpu.memref_slice %arg2[%dma_wait3A_496, %mul3A_136] : memref<200x4096xi32, #tpu.memory_space<hbm>> -> memref<8x128xi32, #tpu.memory_space<hbm>>
    %dma_wait3A_498 = arith.constant 0 : i32
    %dma_wait3A_499 = arith.constant 0 : i32
    %dma_wait3A_500 = tpu.memref_slice %arg4[%dma_wait3A_491, %dma_wait3A_498, %dma_wait3A_499] : memref<25x8x128xi32, #tpu.memory_space<vmem>> -> memref<1x8x128xi32, #tpu.memory_space<vmem>>
    %dma_wait3A_501 = tpu.memref_squeeze %dma_wait3A_500 : memref<1x8x128xi32, #tpu.memory_space<vmem>> -> memref<8x128xi32, #tpu.memory_space<vmem>>
    %dma_wait3A_502 = arith.constant 72 : i32
    %dma_wait3A_503 = tpu.memref_slice %arg2[%dma_wait3A_502, %mul3A_136] : memref<200x4096xi32, #tpu.memory_space<hbm>> -> memref<8x128xi32, #tpu.memory_space<hbm>>
    tpu.wait_dma2 semaphore(%arg5 : memref<!tpu.dma_semaphore, #tpu.memory_space<semaphore_mem>>) src(%dma_wait3A_503 : memref<8x128xi32, #tpu.memory_space<hbm>>) dst(%dma_wait3A_501 : memref<8x128xi32, #tpu.memory_space<vmem>>)
    %dma_wait3A_504 = arith.constant 10 : i32
    %dma_wait3A_505 = arith.constant 0 : i32
    %dma_wait3A_506 = arith.constant 0 : i32
    %dma_wait3A_507 = tpu.memref_slice %arg4[%dma_wait3A_504, %dma_wait3A_505, %dma_wait3A_506] : memref<25x8x128xi32, #tpu.memory_space<vmem>> -> memref<1x8x128xi32, #tpu.memory_space<vmem>>
    %dma_wait3A_508 = tpu.memref_squeeze %dma_wait3A_507 : memref<1x8x128xi32, #tpu.memory_space<vmem>> -> memref<8x128xi32, #tpu.memory_space<vmem>>
    %dma_wait3A_509 = arith.constant 80 : i32
    %dma_wait3A_510 = tpu.memref_slice %arg2[%dma_wait3A_509, %mul3A_151] : memref<200x4096xi32, #tpu.memory_space<hbm>> -> memref<8x128xi32, #tpu.memory_space<hbm>>
    %dma_wait3A_511 = arith.constant 0 : i32
    %dma_wait3A_512 = arith.constant 0 : i32
    %dma_wait3A_513 = tpu.memref_slice %arg4[%dma_wait3A_504, %dma_wait3A_511, %dma_wait3A_512] : memref<25x8x128xi32, #tpu.memory_space<vmem>> -> memref<1x8x128xi32, #tpu.memory_space<vmem>>
    %dma_wait3A_514 = tpu.memref_squeeze %dma_wait3A_513 : memref<1x8x128xi32, #tpu.memory_space<vmem>> -> memref<8x128xi32, #tpu.memory_space<vmem>>
    %dma_wait3A_515 = arith.constant 80 : i32
    %dma_wait3A_516 = tpu.memref_slice %arg2[%dma_wait3A_515, %mul3A_151] : memref<200x4096xi32, #tpu.memory_space<hbm>> -> memref<8x128xi32, #tpu.memory_space<hbm>>
    tpu.wait_dma2 semaphore(%arg5 : memref<!tpu.dma_semaphore, #tpu.memory_space<semaphore_mem>>) src(%dma_wait3A_516 : memref<8x128xi32, #tpu.memory_space<hbm>>) dst(%dma_wait3A_514 : memref<8x128xi32, #tpu.memory_space<vmem>>)
    %dma_wait3A_517 = arith.constant 11 : i32
    %dma_wait3A_518 = arith.constant 0 : i32
    %dma_wait3A_519 = arith.constant 0 : i32
    %dma_wait3A_520 = tpu.memref_slice %arg4[%dma_wait3A_517, %dma_wait3A_518, %dma_wait3A_519] : memref<25x8x128xi32, #tpu.memory_space<vmem>> -> memref<1x8x128xi32, #tpu.memory_space<vmem>>
    %dma_wait3A_521 = tpu.memref_squeeze %dma_wait3A_520 : memref<1x8x128xi32, #tpu.memory_space<vmem>> -> memref<8x128xi32, #tpu.memory_space<vmem>>
    %dma_wait3A_522 = arith.constant 88 : i32
    %dma_wait3A_523 = tpu.memref_slice %arg2[%dma_wait3A_522, %mul3A_166] : memref<200x4096xi32, #tpu.memory_space<hbm>> -> memref<8x128xi32, #tpu.memory_space<hbm>>
    %dma_wait3A_524 = arith.constant 0 : i32
    %dma_wait3A_525 = arith.constant 0 : i32
    %dma_wait3A_526 = tpu.memref_slice %arg4[%dma_wait3A_517, %dma_wait3A_524, %dma_wait3A_525] : memref<25x8x128xi32, #tpu.memory_space<vmem>> -> memref<1x8x128xi32, #tpu.memory_space<vmem>>
    %dma_wait3A_527 = tpu.memref_squeeze %dma_wait3A_526 : memref<1x8x128xi32, #tpu.memory_space<vmem>> -> memref<8x128xi32, #tpu.memory_space<vmem>>
    %dma_wait3A_528 = arith.constant 88 : i32
    %dma_wait3A_529 = tpu.memref_slice %arg2[%dma_wait3A_528, %mul3A_166] : memref<200x4096xi32, #tpu.memory_space<hbm>> -> memref<8x128xi32, #tpu.memory_space<hbm>>
    tpu.wait_dma2 semaphore(%arg5 : memref<!tpu.dma_semaphore, #tpu.memory_space<semaphore_mem>>) src(%dma_wait3A_529 : memref<8x128xi32, #tpu.memory_space<hbm>>) dst(%dma_wait3A_527 : memref<8x128xi32, #tpu.memory_space<vmem>>)
    %dma_wait3A_530 = arith.constant 12 : i32
    %dma_wait3A_531 = arith.constant 0 : i32
    %dma_wait3A_532 = arith.constant 0 : i32
    %dma_wait3A_533 = tpu.memref_slice %arg4[%dma_wait3A_530, %dma_wait3A_531, %dma_wait3A_532] : memref<25x8x128xi32, #tpu.memory_space<vmem>> -> memref<1x8x128xi32, #tpu.memory_space<vmem>>
    %dma_wait3A_534 = tpu.memref_squeeze %dma_wait3A_533 : memref<1x8x128xi32, #tpu.memory_space<vmem>> -> memref<8x128xi32, #tpu.memory_space<vmem>>
    %dma_wait3A_535 = arith.constant 96 : i32
    %dma_wait3A_536 = tpu.memref_slice %arg2[%dma_wait3A_535, %mul3A_181] : memref<200x4096xi32, #tpu.memory_space<hbm>> -> memref<8x128xi32, #tpu.memory_space<hbm>>
    %dma_wait3A_537 = arith.constant 0 : i32
    %dma_wait3A_538 = arith.constant 0 : i32
    %dma_wait3A_539 = tpu.memref_slice %arg4[%dma_wait3A_530, %dma_wait3A_537, %dma_wait3A_538] : memref<25x8x128xi32, #tpu.memory_space<vmem>> -> memref<1x8x128xi32, #tpu.memory_space<vmem>>
    %dma_wait3A_540 = tpu.memref_squeeze %dma_wait3A_539 : memref<1x8x128xi32, #tpu.memory_space<vmem>> -> memref<8x128xi32, #tpu.memory_space<vmem>>
    %dma_wait3A_541 = arith.constant 96 : i32
    %dma_wait3A_542 = tpu.memref_slice %arg2[%dma_wait3A_541, %mul3A_181] : memref<200x4096xi32, #tpu.memory_space<hbm>> -> memref<8x128xi32, #tpu.memory_space<hbm>>
    tpu.wait_dma2 semaphore(%arg5 : memref<!tpu.dma_semaphore, #tpu.memory_space<semaphore_mem>>) src(%dma_wait3A_542 : memref<8x128xi32, #tpu.memory_space<hbm>>) dst(%dma_wait3A_540 : memref<8x128xi32, #tpu.memory_space<vmem>>)
    %dma_wait3A_543 = arith.constant 13 : i32
    %dma_wait3A_544 = arith.constant 0 : i32
    %dma_wait3A_545 = arith.constant 0 : i32
    %dma_wait3A_546 = tpu.memref_slice %arg4[%dma_wait3A_543, %dma_wait3A_544, %dma_wait3A_545] : memref<25x8x128xi32, #tpu.memory_space<vmem>> -> memref<1x8x128xi32, #tpu.memory_space<vmem>>
    %dma_wait3A_547 = tpu.memref_squeeze %dma_wait3A_546 : memref<1x8x128xi32, #tpu.memory_space<vmem>> -> memref<8x128xi32, #tpu.memory_space<vmem>>
    %dma_wait3A_548 = arith.constant 104 : i32
    %dma_wait3A_549 = tpu.memref_slice %arg2[%dma_wait3A_548, %mul3A_196] : memref<200x4096xi32, #tpu.memory_space<hbm>> -> memref<8x128xi32, #tpu.memory_space<hbm>>
    %dma_wait3A_550 = arith.constant 0 : i32
    %dma_wait3A_551 = arith.constant 0 : i32
    %dma_wait3A_552 = tpu.memref_slice %arg4[%dma_wait3A_543, %dma_wait3A_550, %dma_wait3A_551] : memref<25x8x128xi32, #tpu.memory_space<vmem>> -> memref<1x8x128xi32, #tpu.memory_space<vmem>>
    %dma_wait3A_553 = tpu.memref_squeeze %dma_wait3A_552 : memref<1x8x128xi32, #tpu.memory_space<vmem>> -> memref<8x128xi32, #tpu.memory_space<vmem>>
    %dma_wait3A_554 = arith.constant 104 : i32
    %dma_wait3A_555 = tpu.memref_slice %arg2[%dma_wait3A_554, %mul3A_196] : memref<200x4096xi32, #tpu.memory_space<hbm>> -> memref<8x128xi32, #tpu.memory_space<hbm>>
    tpu.wait_dma2 semaphore(%arg5 : memref<!tpu.dma_semaphore, #tpu.memory_space<semaphore_mem>>) src(%dma_wait3A_555 : memref<8x128xi32, #tpu.memory_space<hbm>>) dst(%dma_wait3A_553 : memref<8x128xi32, #tpu.memory_space<vmem>>)
    %dma_wait3A_556 = arith.constant 14 : i32
    %dma_wait3A_557 = arith.constant 0 : i32
    %dma_wait3A_558 = arith.constant 0 : i32
    %dma_wait3A_559 = tpu.memref_slice %arg4[%dma_wait3A_556, %dma_wait3A_557, %dma_wait3A_558] : memref<25x8x128xi32, #tpu.memory_space<vmem>> -> memref<1x8x128xi32, #tpu.memory_space<vmem>>
    %dma_wait3A_560 = tpu.memref_squeeze %dma_wait3A_559 : memref<1x8x128xi32, #tpu.memory_space<vmem>> -> memref<8x128xi32, #tpu.memory_space<vmem>>
    %dma_wait3A_561 = arith.constant 112 : i32
    %dma_wait3A_562 = tpu.memref_slice %arg2[%dma_wait3A_561, %mul3A_211] : memref<200x4096xi32, #tpu.memory_space<hbm>> -> memref<8x128xi32, #tpu.memory_space<hbm>>
    %dma_wait3A_563 = arith.constant 0 : i32
    %dma_wait3A_564 = arith.constant 0 : i32
    %dma_wait3A_565 = tpu.memref_slice %arg4[%dma_wait3A_556, %dma_wait3A_563, %dma_wait3A_564] : memref<25x8x128xi32, #tpu.memory_space<vmem>> -> memref<1x8x128xi32, #tpu.memory_space<vmem>>
    %dma_wait3A_566 = tpu.memref_squeeze %dma_wait3A_565 : memref<1x8x128xi32, #tpu.memory_space<vmem>> -> memref<8x128xi32, #tpu.memory_space<vmem>>
    %dma_wait3A_567 = arith.constant 112 : i32
    %dma_wait3A_568 = tpu.memref_slice %arg2[%dma_wait3A_567, %mul3A_211] : memref<200x4096xi32, #tpu.memory_space<hbm>> -> memref<8x128xi32, #tpu.memory_space<hbm>>
    tpu.wait_dma2 semaphore(%arg5 : memref<!tpu.dma_semaphore, #tpu.memory_space<semaphore_mem>>) src(%dma_wait3A_568 : memref<8x128xi32, #tpu.memory_space<hbm>>) dst(%dma_wait3A_566 : memref<8x128xi32, #tpu.memory_space<vmem>>)
    %dma_wait3A_569 = arith.constant 15 : i32
    %dma_wait3A_570 = arith.constant 0 : i32
    %dma_wait3A_571 = arith.constant 0 : i32
    %dma_wait3A_572 = tpu.memref_slice %arg4[%dma_wait3A_569, %dma_wait3A_570, %dma_wait3A_571] : memref<25x8x128xi32, #tpu.memory_space<vmem>> -> memref<1x8x128xi32, #tpu.memory_space<vmem>>
    %dma_wait3A_573 = tpu.memref_squeeze %dma_wait3A_572 : memref<1x8x128xi32, #tpu.memory_space<vmem>> -> memref<8x128xi32, #tpu.memory_space<vmem>>
    %dma_wait3A_574 = arith.constant 120 : i32
    %dma_wait3A_575 = tpu.memref_slice %arg2[%dma_wait3A_574, %mul3A_226] : memref<200x4096xi32, #tpu.memory_space<hbm>> -> memref<8x128xi32, #tpu.memory_space<hbm>>
    %dma_wait3A_576 = arith.constant 0 : i32
    %dma_wait3A_577 = arith.constant 0 : i32
    %dma_wait3A_578 = tpu.memref_slice %arg4[%dma_wait3A_569, %dma_wait3A_576, %dma_wait3A_577] : memref<25x8x128xi32, #tpu.memory_space<vmem>> -> memref<1x8x128xi32, #tpu.memory_space<vmem>>
    %dma_wait3A_579 = tpu.memref_squeeze %dma_wait3A_578 : memref<1x8x128xi32, #tpu.memory_space<vmem>> -> memref<8x128xi32, #tpu.memory_space<vmem>>
    %dma_wait3A_580 = arith.constant 120 : i32
    %dma_wait3A_581 = tpu.memref_slice %arg2[%dma_wait3A_580, %mul3A_226] : memref<200x4096xi32, #tpu.memory_space<hbm>> -> memref<8x128xi32, #tpu.memory_space<hbm>>
    tpu.wait_dma2 semaphore(%arg5 : memref<!tpu.dma_semaphore, #tpu.memory_space<semaphore_mem>>) src(%dma_wait3A_581 : memref<8x128xi32, #tpu.memory_space<hbm>>) dst(%dma_wait3A_579 : memref<8x128xi32, #tpu.memory_space<vmem>>)
    %dma_wait3A_582 = arith.constant 16 : i32
    %dma_wait3A_583 = arith.constant 0 : i32
    %dma_wait3A_584 = arith.constant 0 : i32
    %dma_wait3A_585 = tpu.memref_slice %arg4[%dma_wait3A_582, %dma_wait3A_583, %dma_wait3A_584] : memref<25x8x128xi32, #tpu.memory_space<vmem>> -> memref<1x8x128xi32, #tpu.memory_space<vmem>>
    %dma_wait3A_586 = tpu.memref_squeeze %dma_wait3A_585 : memref<1x8x128xi32, #tpu.memory_space<vmem>> -> memref<8x128xi32, #tpu.memory_space<vmem>>
    %dma_wait3A_587 = arith.constant 128 : i32
    %dma_wait3A_588 = tpu.memref_slice %arg2[%dma_wait3A_587, %mul3A_241] : memref<200x4096xi32, #tpu.memory_space<hbm>> -> memref<8x128xi32, #tpu.memory_space<hbm>>
    %dma_wait3A_589 = arith.constant 0 : i32
    %dma_wait3A_590 = arith.constant 0 : i32
    %dma_wait3A_591 = tpu.memref_slice %arg4[%dma_wait3A_582, %dma_wait3A_589, %dma_wait3A_590] : memref<25x8x128xi32, #tpu.memory_space<vmem>> -> memref<1x8x128xi32, #tpu.memory_space<vmem>>
    %dma_wait3A_592 = tpu.memref_squeeze %dma_wait3A_591 : memref<1x8x128xi32, #tpu.memory_space<vmem>> -> memref<8x128xi32, #tpu.memory_space<vmem>>
    %dma_wait3A_593 = arith.constant 128 : i32
    %dma_wait3A_594 = tpu.memref_slice %arg2[%dma_wait3A_593, %mul3A_241] : memref<200x4096xi32, #tpu.memory_space<hbm>> -> memref<8x128xi32, #tpu.memory_space<hbm>>
    tpu.wait_dma2 semaphore(%arg5 : memref<!tpu.dma_semaphore, #tpu.memory_space<semaphore_mem>>) src(%dma_wait3A_594 : memref<8x128xi32, #tpu.memory_space<hbm>>) dst(%dma_wait3A_592 : memref<8x128xi32, #tpu.memory_space<vmem>>)
    %dma_wait3A_595 = arith.constant 17 : i32
    %dma_wait3A_596 = arith.constant 0 : i32
    %dma_wait3A_597 = arith.constant 0 : i32
    %dma_wait3A_598 = tpu.memref_slice %arg4[%dma_wait3A_595, %dma_wait3A_596, %dma_wait3A_597] : memref<25x8x128xi32, #tpu.memory_space<vmem>> -> memref<1x8x128xi32, #tpu.memory_space<vmem>>
    %dma_wait3A_599 = tpu.memref_squeeze %dma_wait3A_598 : memref<1x8x128xi32, #tpu.memory_space<vmem>> -> memref<8x128xi32, #tpu.memory_space<vmem>>
    %dma_wait3A_600 = arith.constant 136 : i32
    %dma_wait3A_601 = tpu.memref_slice %arg2[%dma_wait3A_600, %mul3A_256] : memref<200x4096xi32, #tpu.memory_space<hbm>> -> memref<8x128xi32, #tpu.memory_space<hbm>>
    %dma_wait3A_602 = arith.constant 0 : i32
    %dma_wait3A_603 = arith.constant 0 : i32
    %dma_wait3A_604 = tpu.memref_slice %arg4[%dma_wait3A_595, %dma_wait3A_602, %dma_wait3A_603] : memref<25x8x128xi32, #tpu.memory_space<vmem>> -> memref<1x8x128xi32, #tpu.memory_space<vmem>>
    %dma_wait3A_605 = tpu.memref_squeeze %dma_wait3A_604 : memref<1x8x128xi32, #tpu.memory_space<vmem>> -> memref<8x128xi32, #tpu.memory_space<vmem>>
    %dma_wait3A_606 = arith.constant 136 : i32
    %dma_wait3A_607 = tpu.memref_slice %arg2[%dma_wait3A_606, %mul3A_256] : memref<200x4096xi32, #tpu.memory_space<hbm>> -> memref<8x128xi32, #tpu.memory_space<hbm>>
    tpu.wait_dma2 semaphore(%arg5 : memref<!tpu.dma_semaphore, #tpu.memory_space<semaphore_mem>>) src(%dma_wait3A_607 : memref<8x128xi32, #tpu.memory_space<hbm>>) dst(%dma_wait3A_605 : memref<8x128xi32, #tpu.memory_space<vmem>>)
    %dma_wait3A_608 = arith.constant 18 : i32
    %dma_wait3A_609 = arith.constant 0 : i32
    %dma_wait3A_610 = arith.constant 0 : i32
    %dma_wait3A_611 = tpu.memref_slice %arg4[%dma_wait3A_608, %dma_wait3A_609, %dma_wait3A_610] : memref<25x8x128xi32, #tpu.memory_space<vmem>> -> memref<1x8x128xi32, #tpu.memory_space<vmem>>
    %dma_wait3A_612 = tpu.memref_squeeze %dma_wait3A_611 : memref<1x8x128xi32, #tpu.memory_space<vmem>> -> memref<8x128xi32, #tpu.memory_space<vmem>>
    %dma_wait3A_613 = arith.constant 144 : i32
    %dma_wait3A_614 = tpu.memref_slice %arg2[%dma_wait3A_613, %mul3A_271] : memref<200x4096xi32, #tpu.memory_space<hbm>> -> memref<8x128xi32, #tpu.memory_space<hbm>>
    %dma_wait3A_615 = arith.constant 0 : i32
    %dma_wait3A_616 = arith.constant 0 : i32
    %dma_wait3A_617 = tpu.memref_slice %arg4[%dma_wait3A_608, %dma_wait3A_615, %dma_wait3A_616] : memref<25x8x128xi32, #tpu.memory_space<vmem>> -> memref<1x8x128xi32, #tpu.memory_space<vmem>>
    %dma_wait3A_618 = tpu.memref_squeeze %dma_wait3A_617 : memref<1x8x128xi32, #tpu.memory_space<vmem>> -> memref<8x128xi32, #tpu.memory_space<vmem>>
    %dma_wait3A_619 = arith.constant 144 : i32
    %dma_wait3A_620 = tpu.memref_slice %arg2[%dma_wait3A_619, %mul3A_271] : memref<200x4096xi32, #tpu.memory_space<hbm>> -> memref<8x128xi32, #tpu.memory_space<hbm>>
    tpu.wait_dma2 semaphore(%arg5 : memref<!tpu.dma_semaphore, #tpu.memory_space<semaphore_mem>>) src(%dma_wait3A_620 : memref<8x128xi32, #tpu.memory_space<hbm>>) dst(%dma_wait3A_618 : memref<8x128xi32, #tpu.memory_space<vmem>>)
    %dma_wait3A_621 = arith.constant 19 : i32
    %dma_wait3A_622 = arith.constant 0 : i32
    %dma_wait3A_623 = arith.constant 0 : i32
    %dma_wait3A_624 = tpu.memref_slice %arg4[%dma_wait3A_621, %dma_wait3A_622, %dma_wait3A_623] : memref<25x8x128xi32, #tpu.memory_space<vmem>> -> memref<1x8x128xi32, #tpu.memory_space<vmem>>
    %dma_wait3A_625 = tpu.memref_squeeze %dma_wait3A_624 : memref<1x8x128xi32, #tpu.memory_space<vmem>> -> memref<8x128xi32, #tpu.memory_space<vmem>>
    %dma_wait3A_626 = arith.constant 152 : i32
    %dma_wait3A_627 = tpu.memref_slice %arg2[%dma_wait3A_626, %mul3A_286] : memref<200x4096xi32, #tpu.memory_space<hbm>> -> memref<8x128xi32, #tpu.memory_space<hbm>>
    %dma_wait3A_628 = arith.constant 0 : i32
    %dma_wait3A_629 = arith.constant 0 : i32
    %dma_wait3A_630 = tpu.memref_slice %arg4[%dma_wait3A_621, %dma_wait3A_628, %dma_wait3A_629] : memref<25x8x128xi32, #tpu.memory_space<vmem>> -> memref<1x8x128xi32, #tpu.memory_space<vmem>>
    %dma_wait3A_631 = tpu.memref_squeeze %dma_wait3A_630 : memref<1x8x128xi32, #tpu.memory_space<vmem>> -> memref<8x128xi32, #tpu.memory_space<vmem>>
    %dma_wait3A_632 = arith.constant 152 : i32
    %dma_wait3A_633 = tpu.memref_slice %arg2[%dma_wait3A_632, %mul3A_286] : memref<200x4096xi32, #tpu.memory_space<hbm>> -> memref<8x128xi32, #tpu.memory_space<hbm>>
    tpu.wait_dma2 semaphore(%arg5 : memref<!tpu.dma_semaphore, #tpu.memory_space<semaphore_mem>>) src(%dma_wait3A_633 : memref<8x128xi32, #tpu.memory_space<hbm>>) dst(%dma_wait3A_631 : memref<8x128xi32, #tpu.memory_space<vmem>>)
    %dma_wait3A_634 = arith.constant 20 : i32
    %dma_wait3A_635 = arith.constant 0 : i32
    %dma_wait3A_636 = arith.constant 0 : i32
    %dma_wait3A_637 = tpu.memref_slice %arg4[%dma_wait3A_634, %dma_wait3A_635, %dma_wait3A_636] : memref<25x8x128xi32, #tpu.memory_space<vmem>> -> memref<1x8x128xi32, #tpu.memory_space<vmem>>
    %dma_wait3A_638 = tpu.memref_squeeze %dma_wait3A_637 : memref<1x8x128xi32, #tpu.memory_space<vmem>> -> memref<8x128xi32, #tpu.memory_space<vmem>>
    %dma_wait3A_639 = arith.constant 160 : i32
    %dma_wait3A_640 = tpu.memref_slice %arg2[%dma_wait3A_639, %mul3A_301] : memref<200x4096xi32, #tpu.memory_space<hbm>> -> memref<8x128xi32, #tpu.memory_space<hbm>>
    %dma_wait3A_641 = arith.constant 0 : i32
    %dma_wait3A_642 = arith.constant 0 : i32
    %dma_wait3A_643 = tpu.memref_slice %arg4[%dma_wait3A_634, %dma_wait3A_641, %dma_wait3A_642] : memref<25x8x128xi32, #tpu.memory_space<vmem>> -> memref<1x8x128xi32, #tpu.memory_space<vmem>>
    %dma_wait3A_644 = tpu.memref_squeeze %dma_wait3A_643 : memref<1x8x128xi32, #tpu.memory_space<vmem>> -> memref<8x128xi32, #tpu.memory_space<vmem>>
    %dma_wait3A_645 = arith.constant 160 : i32
    %dma_wait3A_646 = tpu.memref_slice %arg2[%dma_wait3A_645, %mul3A_301] : memref<200x4096xi32, #tpu.memory_space<hbm>> -> memref<8x128xi32, #tpu.memory_space<hbm>>
    tpu.wait_dma2 semaphore(%arg5 : memref<!tpu.dma_semaphore, #tpu.memory_space<semaphore_mem>>) src(%dma_wait3A_646 : memref<8x128xi32, #tpu.memory_space<hbm>>) dst(%dma_wait3A_644 : memref<8x128xi32, #tpu.memory_space<vmem>>)
    %dma_wait3A_647 = arith.constant 21 : i32
    %dma_wait3A_648 = arith.constant 0 : i32
    %dma_wait3A_649 = arith.constant 0 : i32
    %dma_wait3A_650 = tpu.memref_slice %arg4[%dma_wait3A_647, %dma_wait3A_648, %dma_wait3A_649] : memref<25x8x128xi32, #tpu.memory_space<vmem>> -> memref<1x8x128xi32, #tpu.memory_space<vmem>>
    %dma_wait3A_651 = tpu.memref_squeeze %dma_wait3A_650 : memref<1x8x128xi32, #tpu.memory_space<vmem>> -> memref<8x128xi32, #tpu.memory_space<vmem>>
    %dma_wait3A_652 = arith.constant 168 : i32
    %dma_wait3A_653 = tpu.memref_slice %arg2[%dma_wait3A_652, %mul3A_316] : memref<200x4096xi32, #tpu.memory_space<hbm>> -> memref<8x128xi32, #tpu.memory_space<hbm>>
    %dma_wait3A_654 = arith.constant 0 : i32
    %dma_wait3A_655 = arith.constant 0 : i32
    %dma_wait3A_656 = tpu.memref_slice %arg4[%dma_wait3A_647, %dma_wait3A_654, %dma_wait3A_655] : memref<25x8x128xi32, #tpu.memory_space<vmem>> -> memref<1x8x128xi32, #tpu.memory_space<vmem>>
    %dma_wait3A_657 = tpu.memref_squeeze %dma_wait3A_656 : memref<1x8x128xi32, #tpu.memory_space<vmem>> -> memref<8x128xi32, #tpu.memory_space<vmem>>
    %dma_wait3A_658 = arith.constant 168 : i32
    %dma_wait3A_659 = tpu.memref_slice %arg2[%dma_wait3A_658, %mul3A_316] : memref<200x4096xi32, #tpu.memory_space<hbm>> -> memref<8x128xi32, #tpu.memory_space<hbm>>
    tpu.wait_dma2 semaphore(%arg5 : memref<!tpu.dma_semaphore, #tpu.memory_space<semaphore_mem>>) src(%dma_wait3A_659 : memref<8x128xi32, #tpu.memory_space<hbm>>) dst(%dma_wait3A_657 : memref<8x128xi32, #tpu.memory_space<vmem>>)
    %dma_wait3A_660 = arith.constant 22 : i32
    %dma_wait3A_661 = arith.constant 0 : i32
    %dma_wait3A_662 = arith.constant 0 : i32
    %dma_wait3A_663 = tpu.memref_slice %arg4[%dma_wait3A_660, %dma_wait3A_661, %dma_wait3A_662] : memref<25x8x128xi32, #tpu.memory_space<vmem>> -> memref<1x8x128xi32, #tpu.memory_space<vmem>>
    %dma_wait3A_664 = tpu.memref_squeeze %dma_wait3A_663 : memref<1x8x128xi32, #tpu.memory_space<vmem>> -> memref<8x128xi32, #tpu.memory_space<vmem>>
    %dma_wait3A_665 = arith.constant 176 : i32
    %dma_wait3A_666 = tpu.memref_slice %arg2[%dma_wait3A_665, %mul3A_331] : memref<200x4096xi32, #tpu.memory_space<hbm>> -> memref<8x128xi32, #tpu.memory_space<hbm>>
    %dma_wait3A_667 = arith.constant 0 : i32
    %dma_wait3A_668 = arith.constant 0 : i32
    %dma_wait3A_669 = tpu.memref_slice %arg4[%dma_wait3A_660, %dma_wait3A_667, %dma_wait3A_668] : memref<25x8x128xi32, #tpu.memory_space<vmem>> -> memref<1x8x128xi32, #tpu.memory_space<vmem>>
    %dma_wait3A_670 = tpu.memref_squeeze %dma_wait3A_669 : memref<1x8x128xi32, #tpu.memory_space<vmem>> -> memref<8x128xi32, #tpu.memory_space<vmem>>
    %dma_wait3A_671 = arith.constant 176 : i32
    %dma_wait3A_672 = tpu.memref_slice %arg2[%dma_wait3A_671, %mul3A_331] : memref<200x4096xi32, #tpu.memory_space<hbm>> -> memref<8x128xi32, #tpu.memory_space<hbm>>
    tpu.wait_dma2 semaphore(%arg5 : memref<!tpu.dma_semaphore, #tpu.memory_space<semaphore_mem>>) src(%dma_wait3A_672 : memref<8x128xi32, #tpu.memory_space<hbm>>) dst(%dma_wait3A_670 : memref<8x128xi32, #tpu.memory_space<vmem>>)
    %dma_wait3A_673 = arith.constant 23 : i32
    %dma_wait3A_674 = arith.constant 0 : i32
    %dma_wait3A_675 = arith.constant 0 : i32
    %dma_wait3A_676 = tpu.memref_slice %arg4[%dma_wait3A_673, %dma_wait3A_674, %dma_wait3A_675] : memref<25x8x128xi32, #tpu.memory_space<vmem>> -> memref<1x8x128xi32, #tpu.memory_space<vmem>>
    %dma_wait3A_677 = tpu.memref_squeeze %dma_wait3A_676 : memref<1x8x128xi32, #tpu.memory_space<vmem>> -> memref<8x128xi32, #tpu.memory_space<vmem>>
    %dma_wait3A_678 = arith.constant 184 : i32
    %dma_wait3A_679 = tpu.memref_slice %arg2[%dma_wait3A_678, %mul3A_346] : memref<200x4096xi32, #tpu.memory_space<hbm>> -> memref<8x128xi32, #tpu.memory_space<hbm>>
    %dma_wait3A_680 = arith.constant 0 : i32
    %dma_wait3A_681 = arith.constant 0 : i32
    %dma_wait3A_682 = tpu.memref_slice %arg4[%dma_wait3A_673, %dma_wait3A_680, %dma_wait3A_681] : memref<25x8x128xi32, #tpu.memory_space<vmem>> -> memref<1x8x128xi32, #tpu.memory_space<vmem>>
    %dma_wait3A_683 = tpu.memref_squeeze %dma_wait3A_682 : memref<1x8x128xi32, #tpu.memory_space<vmem>> -> memref<8x128xi32, #tpu.memory_space<vmem>>
    %dma_wait3A_684 = arith.constant 184 : i32
    %dma_wait3A_685 = tpu.memref_slice %arg2[%dma_wait3A_684, %mul3A_346] : memref<200x4096xi32, #tpu.memory_space<hbm>> -> memref<8x128xi32, #tpu.memory_space<hbm>>
    tpu.wait_dma2 semaphore(%arg5 : memref<!tpu.dma_semaphore, #tpu.memory_space<semaphore_mem>>) src(%dma_wait3A_685 : memref<8x128xi32, #tpu.memory_space<hbm>>) dst(%dma_wait3A_683 : memref<8x128xi32, #tpu.memory_space<vmem>>)
    %dma_wait3A_686 = arith.constant 24 : i32
    %dma_wait3A_687 = arith.constant 0 : i32
    %dma_wait3A_688 = arith.constant 0 : i32
    %dma_wait3A_689 = tpu.memref_slice %arg4[%dma_wait3A_686, %dma_wait3A_687, %dma_wait3A_688] : memref<25x8x128xi32, #tpu.memory_space<vmem>> -> memref<1x8x128xi32, #tpu.memory_space<vmem>>
    %dma_wait3A_690 = tpu.memref_squeeze %dma_wait3A_689 : memref<1x8x128xi32, #tpu.memory_space<vmem>> -> memref<8x128xi32, #tpu.memory_space<vmem>>
    %dma_wait3A_691 = arith.constant 192 : i32
    %dma_wait3A_692 = tpu.memref_slice %arg2[%dma_wait3A_691, %mul3A_361] : memref<200x4096xi32, #tpu.memory_space<hbm>> -> memref<8x128xi32, #tpu.memory_space<hbm>>
    %dma_wait3A_693 = arith.constant 0 : i32
    %dma_wait3A_694 = arith.constant 0 : i32
    %dma_wait3A_695 = tpu.memref_slice %arg4[%dma_wait3A_686, %dma_wait3A_693, %dma_wait3A_694] : memref<25x8x128xi32, #tpu.memory_space<vmem>> -> memref<1x8x128xi32, #tpu.memory_space<vmem>>
    %dma_wait3A_696 = tpu.memref_squeeze %dma_wait3A_695 : memref<1x8x128xi32, #tpu.memory_space<vmem>> -> memref<8x128xi32, #tpu.memory_space<vmem>>
    %dma_wait3A_697 = arith.constant 192 : i32
    %dma_wait3A_698 = tpu.memref_slice %arg2[%dma_wait3A_697, %mul3A_361] : memref<200x4096xi32, #tpu.memory_space<hbm>> -> memref<8x128xi32, #tpu.memory_space<hbm>>
    tpu.wait_dma2 semaphore(%arg5 : memref<!tpu.dma_semaphore, #tpu.memory_space<semaphore_mem>>) src(%dma_wait3A_698 : memref<8x128xi32, #tpu.memory_space<hbm>>) dst(%dma_wait3A_696 : memref<8x128xi32, #tpu.memory_space<vmem>>)
    %mul3A_699 = arith.constant 25 : i32
    %mul3A_700 = arith.muli %add3A, %mul3A_699 : i32
    "tpu.region"() ({
      %run_scoped3A = tpu.sem_alloc : memref<!tpu.dma_semaphore, #tpu.memory_space<semaphore_mem>>
      %dma_start3A_701 = arith.constant 0 : i32
      %dma_start3A_702 = arith.constant 0 : i32
      %dma_start3A_703 = tpu.memref_slice %arg3[%mul3A_700, %dma_start3A_701, %dma_start3A_702] : memref<800x8x128xi32, #tpu.memory_space<hbm>> -> memref<25x8x128xi32, #tpu.memory_space<hbm>>
      %dma_start3A_704 = arith.constant 0 : i32
      %dma_start3A_705 = arith.constant 0 : i32
      %dma_start3A_706 = tpu.memref_slice %arg3[%mul3A_700, %dma_start3A_704, %dma_start3A_705] : memref<800x8x128xi32, #tpu.memory_space<hbm>> -> memref<25x8x128xi32, #tpu.memory_space<hbm>>
      tpu.enqueue_dma source(%arg4 : memref<25x8x128xi32, #tpu.memory_space<vmem>>) target(%dma_start3A_706 : memref<25x8x128xi32, #tpu.memory_space<hbm>>) target_semaphore(%run_scoped3A : memref<!tpu.dma_semaphore, #tpu.memory_space<semaphore_mem>>)
      %dma_wait3A_707 = arith.constant 0 : i32
      %dma_wait3A_708 = arith.constant 0 : i32
      %dma_wait3A_709 = tpu.memref_slice %arg3[%mul3A_700, %dma_wait3A_707, %dma_wait3A_708] : memref<800x8x128xi32, #tpu.memory_space<hbm>> -> memref<25x8x128xi32, #tpu.memory_space<hbm>>
      %dma_wait3A_710 = arith.constant 0 : i32
      %dma_wait3A_711 = arith.constant 0 : i32
      %dma_wait3A_712 = tpu.memref_slice %arg3[%mul3A_700, %dma_wait3A_710, %dma_wait3A_711] : memref<800x8x128xi32, #tpu.memory_space<hbm>> -> memref<25x8x128xi32, #tpu.memory_space<hbm>>
      tpu.wait_dma2 semaphore(%run_scoped3A : memref<!tpu.dma_semaphore, #tpu.memory_space<semaphore_mem>>) src(%arg4 : memref<25x8x128xi32, #tpu.memory_space<vmem>>) dst(%dma_wait3A_712 : memref<25x8x128xi32, #tpu.memory_space<hbm>>)
      tpu.yield
    }) : () -> ()
    return
  }
}

#map = affine_map<(d0, d1) -> (0, 0, 0)>
#map1 = affine_map<(d0, d1) -> (0, 0)>
module attributes {stable_mosaic.version = 14 : i64} {
  func.func @_emb_mean_body(%arg0: i32, %arg1: i32, %arg2: memref<800x8x128xi32, #tpu.memory_space<hbm>>, %arg3: memref<1000000x64xf32, #tpu.memory_space<hbm>>, %arg4: memref<4096x64xf32, #tpu.memory_space<hbm>>, %arg5: memref<25x8x128xi32, #tpu.memory_space<vmem>>, %arg6: memref<128x64xf32, #tpu.memory_space<vmem>>, %arg7: memref<!tpu.dma_semaphore, #tpu.memory_space<semaphore_mem>>) attributes {dimension_semantics = [#tpu.dimension_semantics<core_parallel>, #tpu.dimension_semantics<subcore_parallel>], iteration_bounds = array<i64: 2, 16>, scalar_prefetch = 0 : i64, scratch_operands = 3 : i64, tpu.core_type = #tpu.core_type<sc_vector_subcore>, window_params = [{transform_indices = #map}, {transform_indices = #map1}, {transform_indices = #map1}]} {
    %mul3A = arith.constant 2 : i32
    %mul3A_0 = arith.muli %arg1, %mul3A : i32
    %add3A = arith.addi %mul3A_0, %arg0 : i32
    %mul3A_1 = arith.constant 128 : i32
    %mul3A_2 = arith.muli %add3A, %mul3A_1 : i32
    %mul3A_3 = arith.constant 25 : i32
    %mul3A_4 = arith.muli %add3A, %mul3A_3 : i32
    "tpu.region"() ({
      %run_scoped3A = tpu.sem_alloc : memref<!tpu.dma_semaphore, #tpu.memory_space<semaphore_mem>>
      %dma_start3A_136 = arith.constant 0 : i32
      %dma_start3A_137 = arith.constant 0 : i32
      %dma_start3A_138 = tpu.memref_slice %arg2[%mul3A_4, %dma_start3A_136, %dma_start3A_137] : memref<800x8x128xi32, #tpu.memory_space<hbm>> -> memref<25x8x128xi32, #tpu.memory_space<hbm>>
      %dma_start3A_139 = arith.constant 0 : i32
      %dma_start3A_140 = arith.constant 0 : i32
      %dma_start3A_141 = tpu.memref_slice %arg2[%mul3A_4, %dma_start3A_139, %dma_start3A_140] : memref<800x8x128xi32, #tpu.memory_space<hbm>> -> memref<25x8x128xi32, #tpu.memory_space<hbm>>
      tpu.enqueue_dma source(%dma_start3A_141 : memref<25x8x128xi32, #tpu.memory_space<hbm>>) target(%arg5 : memref<25x8x128xi32, #tpu.memory_space<vmem>>) target_semaphore(%run_scoped3A : memref<!tpu.dma_semaphore, #tpu.memory_space<semaphore_mem>>)
      %dma_wait3A_142 = arith.constant 0 : i32
      %dma_wait3A_143 = arith.constant 0 : i32
      %dma_wait3A_144 = tpu.memref_slice %arg2[%mul3A_4, %dma_wait3A_142, %dma_wait3A_143] : memref<800x8x128xi32, #tpu.memory_space<hbm>> -> memref<25x8x128xi32, #tpu.memory_space<hbm>>
      %dma_wait3A_145 = arith.constant 0 : i32
      %dma_wait3A_146 = arith.constant 0 : i32
      %dma_wait3A_147 = tpu.memref_slice %arg2[%mul3A_4, %dma_wait3A_145, %dma_wait3A_146] : memref<800x8x128xi32, #tpu.memory_space<hbm>> -> memref<25x8x128xi32, #tpu.memory_space<hbm>>
      tpu.wait_dma2 semaphore(%run_scoped3A : memref<!tpu.dma_semaphore, #tpu.memory_space<semaphore_mem>>) src(%dma_wait3A_147 : memref<25x8x128xi32, #tpu.memory_space<hbm>>) dst(%arg5 : memref<25x8x128xi32, #tpu.memory_space<vmem>>)
      tpu.yield
    }) : () -> ()
    %scan3A = arith.constant 0 : i32
    %scan3A_5 = arith.constant 0 : i32
    %scan3A_6 = arith.constant 128 : i32
    %scan3A_7 = arith.addi %scan3A_5, %scan3A_6 : i32
    %scan3A_8 = arith.constant 1 : i32
    %scan3A_9 = scf.for %scan3A_136 = %scan3A_5 to %scan3A_7 step %scan3A_8 iter_args(%scan3A_137 = %scan3A) -> (i32)  : i32 {
      %broadcast_in_dim3A = arith.constant 0.000000e+00 : f32
      %broadcast_in_dim3A_138 = vector.broadcast %broadcast_in_dim3A : f32 to vector<16xf32>
      %swap3A = arith.index_cast %scan3A_136 : i32 to index
      %swap3A_139 = arith.constant 0 : index
      %swap3A_140 = tpu.vector_load %arg6[%swap3A, %swap3A_139] {strides = array<i32>} : memref<128x64xf32, #tpu.memory_space<vmem>>, vector<1x16xf32>,
      %swap3A_141 = vector.shape_cast %swap3A_140 : vector<1x16xf32> to vector<16xf32>
      %swap3A_142 = vector.shape_cast %broadcast_in_dim3A_138 : vector<16xf32> to vector<1x16xf32>
      tpu.vector_store %arg6[%swap3A, %swap3A_139], %swap3A_142 {strides = array<i32>} : memref<128x64xf32, #tpu.memory_space<vmem>>, vector<1x16xf32>,
      %broadcast_in_dim3A_143 = arith.constant 0.000000e+00 : f32
      %broadcast_in_dim3A_144 = vector.broadcast %broadcast_in_dim3A_143 : f32 to vector<16xf32>
      %swap3A_145 = arith.index_cast %scan3A_136 : i32 to index
      %swap3A_146 = arith.constant 16 : index
      %swap3A_147 = tpu.vector_load %arg6[%swap3A_145, %swap3A_146] {strides = array<i32>} : memref<128x64xf32, #tpu.memory_space<vmem>>, vector<1x16xf32>,
      %swap3A_148 = vector.shape_cast %swap3A_147 : vector<1x16xf32> to vector<16xf32>
      %swap3A_149 = vector.shape_cast %broadcast_in_dim3A_144 : vector<16xf32> to vector<1x16xf32>
      tpu.vector_store %arg6[%swap3A_145, %swap3A_146], %swap3A_149 {strides = array<i32>} : memref<128x64xf32, #tpu.memory_space<vmem>>, vector<1x16xf32>,
      %broadcast_in_dim3A_150 = arith.constant 0.000000e+00 : f32
      %broadcast_in_dim3A_151 = vector.broadcast %broadcast_in_dim3A_150 : f32 to vector<16xf32>
      %swap3A_152 = arith.index_cast %scan3A_136 : i32 to index
      %swap3A_153 = arith.constant 32 : index
      %swap3A_154 = tpu.vector_load %arg6[%swap3A_152, %swap3A_153] {strides = array<i32>} : memref<128x64xf32, #tpu.memory_space<vmem>>, vector<1x16xf32>,
      %swap3A_155 = vector.shape_cast %swap3A_154 : vector<1x16xf32> to vector<16xf32>
      %swap3A_156 = vector.shape_cast %broadcast_in_dim3A_151 : vector<16xf32> to vector<1x16xf32>
      tpu.vector_store %arg6[%swap3A_152, %swap3A_153], %swap3A_156 {strides = array<i32>} : memref<128x64xf32, #tpu.memory_space<vmem>>, vector<1x16xf32>,
      %broadcast_in_dim3A_157 = arith.constant 0.000000e+00 : f32
      %broadcast_in_dim3A_158 = vector.broadcast %broadcast_in_dim3A_157 : f32 to vector<16xf32>
      %swap3A_159 = arith.index_cast %scan3A_136 : i32 to index
      %swap3A_160 = arith.constant 48 : index
      %swap3A_161 = tpu.vector_load %arg6[%swap3A_159, %swap3A_160] {strides = array<i32>} : memref<128x64xf32, #tpu.memory_space<vmem>>, vector<1x16xf32>,
      %swap3A_162 = vector.shape_cast %swap3A_161 : vector<1x16xf32> to vector<16xf32>
      %swap3A_163 = vector.shape_cast %broadcast_in_dim3A_158 : vector<16xf32> to vector<1x16xf32>
      tpu.vector_store %arg6[%swap3A_159, %swap3A_160], %swap3A_163 {strides = array<i32>} : memref<128x64xf32, #tpu.memory_space<vmem>>, vector<1x16xf32>,
      %scan3A_164 = arith.constant 0 : i32
      scf.yield %scan3A_164 : i32
    }
    %scan3A_10 = arith.constant 128 : i32
    %dma_start3A = arith.constant 0 : i32
    %dma_start3A_11 = arith.constant 0 : i32
    %dma_start3A_12 = arith.constant 0 : i32
    %dma_start3A_13 = tpu.memref_slice %arg5[%dma_start3A, %dma_start3A_11, %dma_start3A_12] : memref<25x8x128xi32, #tpu.memory_space<vmem>> -> memref<1x1x128xi32, #tpu.memory_space<vmem>>
    %dma_start3A_14 = tpu.memref_squeeze %dma_start3A_13 : memref<1x1x128xi32, #tpu.memory_space<vmem>> -> memref<128xi32, #tpu.memory_space<vmem>>
    %dma_start3A_15 = arith.constant 0 : i32
    %dma_start3A_16 = arith.constant 0 : i32
    %dma_start3A_17 = tpu.memref_slice %arg3[%dma_start3A_15, %dma_start3A_16] : memref<1000000x64xf32, #tpu.memory_space<hbm>> -> memref<1000000x64xf32, #tpu.memory_space<hbm>>
    tpu.enqueue_indirect_dma source(%dma_start3A_17 : memref<1000000x64xf32, #tpu.memory_space<hbm>>) target(%arg6 : memref<128x64xf32, #tpu.memory_space<vmem>>) offsets(%dma_start3A_14 : memref<128xi32, #tpu.memory_space<vmem>>) semaphore(%arg7 : memref<!tpu.dma_semaphore, #tpu.memory_space<semaphore_mem>>) {add = true}
    %dma_start3A_18 = arith.constant 0 : i32
    %dma_start3A_19 = arith.constant 1 : i32
    %dma_start3A_20 = arith.constant 0 : i32
    %dma_start3A_21 = tpu.memref_slice %arg5[%dma_start3A_18, %dma_start3A_19, %dma_start3A_20] : memref<25x8x128xi32, #tpu.memory_space<vmem>> -> memref<1x1x128xi32, #tpu.memory_space<vmem>>
    %dma_start3A_22 = tpu.memref_squeeze %dma_start3A_21 : memref<1x1x128xi32, #tpu.memory_space<vmem>> -> memref<128xi32, #tpu.memory_space<vmem>>
    %dma_start3A_23 = arith.constant 0 : i32
    %dma_start3A_24 = arith.constant 0 : i32
    %dma_start3A_25 = tpu.memref_slice %arg3[%dma_start3A_23, %dma_start3A_24] : memref<1000000x64xf32, #tpu.memory_space<hbm>> -> memref<1000000x64xf32, #tpu.memory_space<hbm>>
    tpu.enqueue_indirect_dma source(%dma_start3A_25 : memref<1000000x64xf32, #tpu.memory_space<hbm>>) target(%arg6 : memref<128x64xf32, #tpu.memory_space<vmem>>) offsets(%dma_start3A_22 : memref<128xi32, #tpu.memory_space<vmem>>) semaphore(%arg7 : memref<!tpu.dma_semaphore, #tpu.memory_space<semaphore_mem>>) {add = true}
    %dma_start3A_26 = arith.constant 0 : i32
    %dma_start3A_27 = arith.constant 2 : i32
    %dma_start3A_28 = arith.constant 0 : i32
    %dma_start3A_29 = tpu.memref_slice %arg5[%dma_start3A_26, %dma_start3A_27, %dma_start3A_28] : memref<25x8x128xi32, #tpu.memory_space<vmem>> -> memref<1x1x128xi32, #tpu.memory_space<vmem>>
    %dma_start3A_30 = tpu.memref_squeeze %dma_start3A_29 : memref<1x1x128xi32, #tpu.memory_space<vmem>> -> memref<128xi32, #tpu.memory_space<vmem>>
    %dma_start3A_31 = arith.constant 0 : i32
    %dma_start3A_32 = arith.constant 0 : i32
    %dma_start3A_33 = tpu.memref_slice %arg3[%dma_start3A_31, %dma_start3A_32] : memref<1000000x64xf32, #tpu.memory_space<hbm>> -> memref<1000000x64xf32, #tpu.memory_space<hbm>>
    tpu.enqueue_indirect_dma source(%dma_start3A_33 : memref<1000000x64xf32, #tpu.memory_space<hbm>>) target(%arg6 : memref<128x64xf32, #tpu.memory_space<vmem>>) offsets(%dma_start3A_30 : memref<128xi32, #tpu.memory_space<vmem>>) semaphore(%arg7 : memref<!tpu.dma_semaphore, #tpu.memory_space<semaphore_mem>>) {add = true}
    %dma_start3A_34 = arith.constant 0 : i32
    %dma_start3A_35 = arith.constant 3 : i32
    %dma_start3A_36 = arith.constant 0 : i32
    %dma_start3A_37 = tpu.memref_slice %arg5[%dma_start3A_34, %dma_start3A_35, %dma_start3A_36] : memref<25x8x128xi32, #tpu.memory_space<vmem>> -> memref<1x1x128xi32, #tpu.memory_space<vmem>>
    %dma_start3A_38 = tpu.memref_squeeze %dma_start3A_37 : memref<1x1x128xi32, #tpu.memory_space<vmem>> -> memref<128xi32, #tpu.memory_space<vmem>>
    %dma_start3A_39 = arith.constant 0 : i32
    %dma_start3A_40 = arith.constant 0 : i32
    %dma_start3A_41 = tpu.memref_slice %arg3[%dma_start3A_39, %dma_start3A_40] : memref<1000000x64xf32, #tpu.memory_space<hbm>> -> memref<1000000x64xf32, #tpu.memory_space<hbm>>
    tpu.enqueue_indirect_dma source(%dma_start3A_41 : memref<1000000x64xf32, #tpu.memory_space<hbm>>) target(%arg6 : memref<128x64xf32, #tpu.memory_space<vmem>>) offsets(%dma_start3A_38 : memref<128xi32, #tpu.memory_space<vmem>>) semaphore(%arg7 : memref<!tpu.dma_semaphore, #tpu.memory_space<semaphore_mem>>) {add = true}
    %dma_start3A_42 = arith.constant 0 : i32
    %dma_start3A_43 = arith.constant 4 : i32
    %dma_start3A_44 = arith.constant 0 : i32
    %dma_start3A_45 = tpu.memref_slice %arg5[%dma_start3A_42, %dma_start3A_43, %dma_start3A_44] : memref<25x8x128xi32, #tpu.memory_space<vmem>> -> memref<1x1x128xi32, #tpu.memory_space<vmem>>
    %dma_start3A_46 = tpu.memref_squeeze %dma_start3A_45 : memref<1x1x128xi32, #tpu.memory_space<vmem>> -> memref<128xi32, #tpu.memory_space<vmem>>
    %dma_start3A_47 = arith.constant 0 : i32
    %dma_start3A_48 = arith.constant 0 : i32
    %dma_start3A_49 = tpu.memref_slice %arg3[%dma_start3A_47, %dma_start3A_48] : memref<1000000x64xf32, #tpu.memory_space<hbm>> -> memref<1000000x64xf32, #tpu.memory_space<hbm>>
    tpu.enqueue_indirect_dma source(%dma_start3A_49 : memref<1000000x64xf32, #tpu.memory_space<hbm>>) target(%arg6 : memref<128x64xf32, #tpu.memory_space<vmem>>) offsets(%dma_start3A_46 : memref<128xi32, #tpu.memory_space<vmem>>) semaphore(%arg7 : memref<!tpu.dma_semaphore, #tpu.memory_space<semaphore_mem>>) {add = true}
    %dma_start3A_50 = arith.constant 0 : i32
    %dma_start3A_51 = arith.constant 5 : i32
    %dma_start3A_52 = arith.constant 0 : i32
    %dma_start3A_53 = tpu.memref_slice %arg5[%dma_start3A_50, %dma_start3A_51, %dma_start3A_52] : memref<25x8x128xi32, #tpu.memory_space<vmem>> -> memref<1x1x128xi32, #tpu.memory_space<vmem>>
    %dma_start3A_54 = tpu.memref_squeeze %dma_start3A_53 : memref<1x1x128xi32, #tpu.memory_space<vmem>> -> memref<128xi32, #tpu.memory_space<vmem>>
    %dma_start3A_55 = arith.constant 0 : i32
    %dma_start3A_56 = arith.constant 0 : i32
    %dma_start3A_57 = tpu.memref_slice %arg3[%dma_start3A_55, %dma_start3A_56] : memref<1000000x64xf32, #tpu.memory_space<hbm>> -> memref<1000000x64xf32, #tpu.memory_space<hbm>>
    tpu.enqueue_indirect_dma source(%dma_start3A_57 : memref<1000000x64xf32, #tpu.memory_space<hbm>>) target(%arg6 : memref<128x64xf32, #tpu.memory_space<vmem>>) offsets(%dma_start3A_54 : memref<128xi32, #tpu.memory_space<vmem>>) semaphore(%arg7 : memref<!tpu.dma_semaphore, #tpu.memory_space<semaphore_mem>>) {add = true}
    %dma_start3A_58 = arith.constant 0 : i32
    %dma_start3A_59 = arith.constant 6 : i32
    %dma_start3A_60 = arith.constant 0 : i32
    %dma_start3A_61 = tpu.memref_slice %arg5[%dma_start3A_58, %dma_start3A_59, %dma_start3A_60] : memref<25x8x128xi32, #tpu.memory_space<vmem>> -> memref<1x1x128xi32, #tpu.memory_space<vmem>>
    %dma_start3A_62 = tpu.memref_squeeze %dma_start3A_61 : memref<1x1x128xi32, #tpu.memory_space<vmem>> -> memref<128xi32, #tpu.memory_space<vmem>>
    %dma_start3A_63 = arith.constant 0 : i32
    %dma_start3A_64 = arith.constant 0 : i32
    %dma_start3A_65 = tpu.memref_slice %arg3[%dma_start3A_63, %dma_start3A_64] : memref<1000000x64xf32, #tpu.memory_space<hbm>> -> memref<1000000x64xf32, #tpu.memory_space<hbm>>
    tpu.enqueue_indirect_dma source(%dma_start3A_65 : memref<1000000x64xf32, #tpu.memory_space<hbm>>) target(%arg6 : memref<128x64xf32, #tpu.memory_space<vmem>>) offsets(%dma_start3A_62 : memref<128xi32, #tpu.memory_space<vmem>>) semaphore(%arg7 : memref<!tpu.dma_semaphore, #tpu.memory_space<semaphore_mem>>) {add = true}
    %dma_start3A_66 = arith.constant 0 : i32
    %dma_start3A_67 = arith.constant 7 : i32
    %dma_start3A_68 = arith.constant 0 : i32
    %dma_start3A_69 = tpu.memref_slice %arg5[%dma_start3A_66, %dma_start3A_67, %dma_start3A_68] : memref<25x8x128xi32, #tpu.memory_space<vmem>> -> memref<1x1x128xi32, #tpu.memory_space<vmem>>
    %dma_start3A_70 = tpu.memref_squeeze %dma_start3A_69 : memref<1x1x128xi32, #tpu.memory_space<vmem>> -> memref<128xi32, #tpu.memory_space<vmem>>
    %dma_start3A_71 = arith.constant 0 : i32
    %dma_start3A_72 = arith.constant 0 : i32
    %dma_start3A_73 = tpu.memref_slice %arg3[%dma_start3A_71, %dma_start3A_72] : memref<1000000x64xf32, #tpu.memory_space<hbm>> -> memref<1000000x64xf32, #tpu.memory_space<hbm>>
    tpu.enqueue_indirect_dma source(%dma_start3A_73 : memref<1000000x64xf32, #tpu.memory_space<hbm>>) target(%arg6 : memref<128x64xf32, #tpu.memory_space<vmem>>) offsets(%dma_start3A_70 : memref<128xi32, #tpu.memory_space<vmem>>) semaphore(%arg7 : memref<!tpu.dma_semaphore, #tpu.memory_space<semaphore_mem>>) {add = true}
    %scan3A_74 = arith.constant 0 : i32
    %scan3A_75 = arith.constant 1 : i32
    %scan3A_76 = arith.constant 24 : i32
    %scan3A_77 = arith.addi %scan3A_75, %scan3A_76 : i32
    %scan3A_78 = arith.constant 1 : i32
    %scan3A_79 = scf.for %scan3A_136 = %scan3A_75 to %scan3A_77 step %scan3A_78 iter_args(%scan3A_137 = %scan3A_74) -> (i32)  : i32 {
      %dma_start3A_138 = arith.constant 0 : i32
      %dma_start3A_139 = arith.constant 0 : i32
      %dma_start3A_140 = tpu.memref_slice %arg5[%scan3A_136, %dma_start3A_138, %dma_start3A_139] : memref<25x8x128xi32, #tpu.memory_space<vmem>> -> memref<1x1x128xi32, #tpu.memory_space<vmem>>
      %dma_start3A_141 = tpu.memref_squeeze %dma_start3A_140 : memref<1x1x128xi32, #tpu.memory_space<vmem>> -> memref<128xi32, #tpu.memory_space<vmem>>
      %dma_start3A_142 = arith.constant 0 : i32
      %dma_start3A_143 = arith.constant 0 : i32
      %dma_start3A_144 = tpu.memref_slice %arg3[%dma_start3A_142, %dma_start3A_143] : memref<1000000x64xf32, #tpu.memory_space<hbm>> -> memref<1000000x64xf32, #tpu.memory_space<hbm>>
      tpu.enqueue_indirect_dma source(%dma_start3A_144 : memref<1000000x64xf32, #tpu.memory_space<hbm>>) target(%arg6 : memref<128x64xf32, #tpu.memory_space<vmem>>) offsets(%dma_start3A_141 : memref<128xi32, #tpu.memory_space<vmem>>) semaphore(%arg7 : memref<!tpu.dma_semaphore, #tpu.memory_space<semaphore_mem>>) {add = true}
      %dma_start3A_145 = arith.constant 1 : i32
      %dma_start3A_146 = arith.constant 0 : i32
      %dma_start3A_147 = tpu.memref_slice %arg5[%scan3A_136, %dma_start3A_145, %dma_start3A_146] : memref<25x8x128xi32, #tpu.memory_space<vmem>> -> memref<1x1x128xi32, #tpu.memory_space<vmem>>
      %dma_start3A_148 = tpu.memref_squeeze %dma_start3A_147 : memref<1x1x128xi32, #tpu.memory_space<vmem>> -> memref<128xi32, #tpu.memory_space<vmem>>
      %dma_start3A_149 = arith.constant 0 : i32
      %dma_start3A_150 = arith.constant 0 : i32
      %dma_start3A_151 = tpu.memref_slice %arg3[%dma_start3A_149, %dma_start3A_150] : memref<1000000x64xf32, #tpu.memory_space<hbm>> -> memref<1000000x64xf32, #tpu.memory_space<hbm>>
      tpu.enqueue_indirect_dma source(%dma_start3A_151 : memref<1000000x64xf32, #tpu.memory_space<hbm>>) target(%arg6 : memref<128x64xf32, #tpu.memory_space<vmem>>) offsets(%dma_start3A_148 : memref<128xi32, #tpu.memory_space<vmem>>) semaphore(%arg7 : memref<!tpu.dma_semaphore, #tpu.memory_space<semaphore_mem>>) {add = true}
      %dma_start3A_152 = arith.constant 2 : i32
      %dma_start3A_153 = arith.constant 0 : i32
      %dma_start3A_154 = tpu.memref_slice %arg5[%scan3A_136, %dma_start3A_152, %dma_start3A_153] : memref<25x8x128xi32, #tpu.memory_space<vmem>> -> memref<1x1x128xi32, #tpu.memory_space<vmem>>
      %dma_start3A_155 = tpu.memref_squeeze %dma_start3A_154 : memref<1x1x128xi32, #tpu.memory_space<vmem>> -> memref<128xi32, #tpu.memory_space<vmem>>
      %dma_start3A_156 = arith.constant 0 : i32
      %dma_start3A_157 = arith.constant 0 : i32
      %dma_start3A_158 = tpu.memref_slice %arg3[%dma_start3A_156, %dma_start3A_157] : memref<1000000x64xf32, #tpu.memory_space<hbm>> -> memref<1000000x64xf32, #tpu.memory_space<hbm>>
      tpu.enqueue_indirect_dma source(%dma_start3A_158 : memref<1000000x64xf32, #tpu.memory_space<hbm>>) target(%arg6 : memref<128x64xf32, #tpu.memory_space<vmem>>) offsets(%dma_start3A_155 : memref<128xi32, #tpu.memory_space<vmem>>) semaphore(%arg7 : memref<!tpu.dma_semaphore, #tpu.memory_space<semaphore_mem>>) {add = true}
      %dma_start3A_159 = arith.constant 3 : i32
      %dma_start3A_160 = arith.constant 0 : i32
      %dma_start3A_161 = tpu.memref_slice %arg5[%scan3A_136, %dma_start3A_159, %dma_start3A_160] : memref<25x8x128xi32, #tpu.memory_space<vmem>> -> memref<1x1x128xi32, #tpu.memory_space<vmem>>
      %dma_start3A_162 = tpu.memref_squeeze %dma_start3A_161 : memref<1x1x128xi32, #tpu.memory_space<vmem>> -> memref<128xi32, #tpu.memory_space<vmem>>
      %dma_start3A_163 = arith.constant 0 : i32
      %dma_start3A_164 = arith.constant 0 : i32
      %dma_start3A_165 = tpu.memref_slice %arg3[%dma_start3A_163, %dma_start3A_164] : memref<1000000x64xf32, #tpu.memory_space<hbm>> -> memref<1000000x64xf32, #tpu.memory_space<hbm>>
      tpu.enqueue_indirect_dma source(%dma_start3A_165 : memref<1000000x64xf32, #tpu.memory_space<hbm>>) target(%arg6 : memref<128x64xf32, #tpu.memory_space<vmem>>) offsets(%dma_start3A_162 : memref<128xi32, #tpu.memory_space<vmem>>) semaphore(%arg7 : memref<!tpu.dma_semaphore, #tpu.memory_space<semaphore_mem>>) {add = true}
      %dma_start3A_166 = arith.constant 4 : i32
      %dma_start3A_167 = arith.constant 0 : i32
      %dma_start3A_168 = tpu.memref_slice %arg5[%scan3A_136, %dma_start3A_166, %dma_start3A_167] : memref<25x8x128xi32, #tpu.memory_space<vmem>> -> memref<1x1x128xi32, #tpu.memory_space<vmem>>
      %dma_start3A_169 = tpu.memref_squeeze %dma_start3A_168 : memref<1x1x128xi32, #tpu.memory_space<vmem>> -> memref<128xi32, #tpu.memory_space<vmem>>
      %dma_start3A_170 = arith.constant 0 : i32
      %dma_start3A_171 = arith.constant 0 : i32
      %dma_start3A_172 = tpu.memref_slice %arg3[%dma_start3A_170, %dma_start3A_171] : memref<1000000x64xf32, #tpu.memory_space<hbm>> -> memref<1000000x64xf32, #tpu.memory_space<hbm>>
      tpu.enqueue_indirect_dma source(%dma_start3A_172 : memref<1000000x64xf32, #tpu.memory_space<hbm>>) target(%arg6 : memref<128x64xf32, #tpu.memory_space<vmem>>) offsets(%dma_start3A_169 : memref<128xi32, #tpu.memory_space<vmem>>) semaphore(%arg7 : memref<!tpu.dma_semaphore, #tpu.memory_space<semaphore_mem>>) {add = true}
      %dma_start3A_173 = arith.constant 5 : i32
      %dma_start3A_174 = arith.constant 0 : i32
      %dma_start3A_175 = tpu.memref_slice %arg5[%scan3A_136, %dma_start3A_173, %dma_start3A_174] : memref<25x8x128xi32, #tpu.memory_space<vmem>> -> memref<1x1x128xi32, #tpu.memory_space<vmem>>
      %dma_start3A_176 = tpu.memref_squeeze %dma_start3A_175 : memref<1x1x128xi32, #tpu.memory_space<vmem>> -> memref<128xi32, #tpu.memory_space<vmem>>
      %dma_start3A_177 = arith.constant 0 : i32
      %dma_start3A_178 = arith.constant 0 : i32
      %dma_start3A_179 = tpu.memref_slice %arg3[%dma_start3A_177, %dma_start3A_178] : memref<1000000x64xf32, #tpu.memory_space<hbm>> -> memref<1000000x64xf32, #tpu.memory_space<hbm>>
      tpu.enqueue_indirect_dma source(%dma_start3A_179 : memref<1000000x64xf32, #tpu.memory_space<hbm>>) target(%arg6 : memref<128x64xf32, #tpu.memory_space<vmem>>) offsets(%dma_start3A_176 : memref<128xi32, #tpu.memory_space<vmem>>) semaphore(%arg7 : memref<!tpu.dma_semaphore, #tpu.memory_space<semaphore_mem>>) {add = true}
      %dma_start3A_180 = arith.constant 6 : i32
      %dma_start3A_181 = arith.constant 0 : i32
      %dma_start3A_182 = tpu.memref_slice %arg5[%scan3A_136, %dma_start3A_180, %dma_start3A_181] : memref<25x8x128xi32, #tpu.memory_space<vmem>> -> memref<1x1x128xi32, #tpu.memory_space<vmem>>
      %dma_start3A_183 = tpu.memref_squeeze %dma_start3A_182 : memref<1x1x128xi32, #tpu.memory_space<vmem>> -> memref<128xi32, #tpu.memory_space<vmem>>
      %dma_start3A_184 = arith.constant 0 : i32
      %dma_start3A_185 = arith.constant 0 : i32
      %dma_start3A_186 = tpu.memref_slice %arg3[%dma_start3A_184, %dma_start3A_185] : memref<1000000x64xf32, #tpu.memory_space<hbm>> -> memref<1000000x64xf32, #tpu.memory_space<hbm>>
      tpu.enqueue_indirect_dma source(%dma_start3A_186 : memref<1000000x64xf32, #tpu.memory_space<hbm>>) target(%arg6 : memref<128x64xf32, #tpu.memory_space<vmem>>) offsets(%dma_start3A_183 : memref<128xi32, #tpu.memory_space<vmem>>) semaphore(%arg7 : memref<!tpu.dma_semaphore, #tpu.memory_space<semaphore_mem>>) {add = true}
      %dma_start3A_187 = arith.constant 7 : i32
      %dma_start3A_188 = arith.constant 0 : i32
      %dma_start3A_189 = tpu.memref_slice %arg5[%scan3A_136, %dma_start3A_187, %dma_start3A_188] : memref<25x8x128xi32, #tpu.memory_space<vmem>> -> memref<1x1x128xi32, #tpu.memory_space<vmem>>
      %dma_start3A_190 = tpu.memref_squeeze %dma_start3A_189 : memref<1x1x128xi32, #tpu.memory_space<vmem>> -> memref<128xi32, #tpu.memory_space<vmem>>
      %dma_start3A_191 = arith.constant 0 : i32
      %dma_start3A_192 = arith.constant 0 : i32
      %dma_start3A_193 = tpu.memref_slice %arg3[%dma_start3A_191, %dma_start3A_192] : memref<1000000x64xf32, #tpu.memory_space<hbm>> -> memref<1000000x64xf32, #tpu.memory_space<hbm>>
      tpu.enqueue_indirect_dma source(%dma_start3A_193 : memref<1000000x64xf32, #tpu.memory_space<hbm>>) target(%arg6 : memref<128x64xf32, #tpu.memory_space<vmem>>) offsets(%dma_start3A_190 : memref<128xi32, #tpu.memory_space<vmem>>) semaphore(%arg7 : memref<!tpu.dma_semaphore, #tpu.memory_space<semaphore_mem>>) {add = true}
      %dma_wait3A_194 = arith.constant 0 : i32
      %dma_wait3A_195 = arith.constant 0 : i32
      %dma_wait3A_196 = tpu.memref_slice %arg3[%dma_wait3A_194, %dma_wait3A_195] : memref<1000000x64xf32, #tpu.memory_space<hbm>> -> memref<128x64xf32, #tpu.memory_space<hbm>>
      %dma_wait3A_197 = arith.constant 0 : i32
      %dma_wait3A_198 = arith.constant 0 : i32
      %dma_wait3A_199 = tpu.memref_slice %arg3[%dma_wait3A_197, %dma_wait3A_198] : memref<1000000x64xf32, #tpu.memory_space<hbm>> -> memref<128x64xf32, #tpu.memory_space<hbm>>
      tpu.wait_dma2 semaphore(%arg7 : memref<!tpu.dma_semaphore, #tpu.memory_space<semaphore_mem>>) src(%dma_wait3A_199 : memref<128x64xf32, #tpu.memory_space<hbm>>) dst(%arg6 : memref<128x64xf32, #tpu.memory_space<vmem>>)
      %dma_wait3A_200 = arith.constant 0 : i32
      %dma_wait3A_201 = arith.constant 0 : i32
      %dma_wait3A_202 = tpu.memref_slice %arg3[%dma_wait3A_200, %dma_wait3A_201] : memref<1000000x64xf32, #tpu.memory_space<hbm>> -> memref<128x64xf32, #tpu.memory_space<hbm>>
      %dma_wait3A_203 = arith.constant 0 : i32
      %dma_wait3A_204 = arith.constant 0 : i32
      %dma_wait3A_205 = tpu.memref_slice %arg3[%dma_wait3A_203, %dma_wait3A_204] : memref<1000000x64xf32, #tpu.memory_space<hbm>> -> memref<128x64xf32, #tpu.memory_space<hbm>>
      tpu.wait_dma2 semaphore(%arg7 : memref<!tpu.dma_semaphore, #tpu.memory_space<semaphore_mem>>) src(%dma_wait3A_205 : memref<128x64xf32, #tpu.memory_space<hbm>>) dst(%arg6 : memref<128x64xf32, #tpu.memory_space<vmem>>)
      %dma_wait3A_206 = arith.constant 0 : i32
      %dma_wait3A_207 = arith.constant 0 : i32
      %dma_wait3A_208 = tpu.memref_slice %arg3[%dma_wait3A_206, %dma_wait3A_207] : memref<1000000x64xf32, #tpu.memory_space<hbm>> -> memref<128x64xf32, #tpu.memory_space<hbm>>
      %dma_wait3A_209 = arith.constant 0 : i32
      %dma_wait3A_210 = arith.constant 0 : i32
      %dma_wait3A_211 = tpu.memref_slice %arg3[%dma_wait3A_209, %dma_wait3A_210] : memref<1000000x64xf32, #tpu.memory_space<hbm>> -> memref<128x64xf32, #tpu.memory_space<hbm>>
      tpu.wait_dma2 semaphore(%arg7 : memref<!tpu.dma_semaphore, #tpu.memory_space<semaphore_mem>>) src(%dma_wait3A_211 : memref<128x64xf32, #tpu.memory_space<hbm>>) dst(%arg6 : memref<128x64xf32, #tpu.memory_space<vmem>>)
      %dma_wait3A_212 = arith.constant 0 : i32
      %dma_wait3A_213 = arith.constant 0 : i32
      %dma_wait3A_214 = tpu.memref_slice %arg3[%dma_wait3A_212, %dma_wait3A_213] : memref<1000000x64xf32, #tpu.memory_space<hbm>> -> memref<128x64xf32, #tpu.memory_space<hbm>>
      %dma_wait3A_215 = arith.constant 0 : i32
      %dma_wait3A_216 = arith.constant 0 : i32
      %dma_wait3A_217 = tpu.memref_slice %arg3[%dma_wait3A_215, %dma_wait3A_216] : memref<1000000x64xf32, #tpu.memory_space<hbm>> -> memref<128x64xf32, #tpu.memory_space<hbm>>
      tpu.wait_dma2 semaphore(%arg7 : memref<!tpu.dma_semaphore, #tpu.memory_space<semaphore_mem>>) src(%dma_wait3A_217 : memref<128x64xf32, #tpu.memory_space<hbm>>) dst(%arg6 : memref<128x64xf32, #tpu.memory_space<vmem>>)
      %dma_wait3A_218 = arith.constant 0 : i32
      %dma_wait3A_219 = arith.constant 0 : i32
      %dma_wait3A_220 = tpu.memref_slice %arg3[%dma_wait3A_218, %dma_wait3A_219] : memref<1000000x64xf32, #tpu.memory_space<hbm>> -> memref<128x64xf32, #tpu.memory_space<hbm>>
      %dma_wait3A_221 = arith.constant 0 : i32
      %dma_wait3A_222 = arith.constant 0 : i32
      %dma_wait3A_223 = tpu.memref_slice %arg3[%dma_wait3A_221, %dma_wait3A_222] : memref<1000000x64xf32, #tpu.memory_space<hbm>> -> memref<128x64xf32, #tpu.memory_space<hbm>>
      tpu.wait_dma2 semaphore(%arg7 : memref<!tpu.dma_semaphore, #tpu.memory_space<semaphore_mem>>) src(%dma_wait3A_223 : memref<128x64xf32, #tpu.memory_space<hbm>>) dst(%arg6 : memref<128x64xf32, #tpu.memory_space<vmem>>)
      %dma_wait3A_224 = arith.constant 0 : i32
      %dma_wait3A_225 = arith.constant 0 : i32
      %dma_wait3A_226 = tpu.memref_slice %arg3[%dma_wait3A_224, %dma_wait3A_225] : memref<1000000x64xf32, #tpu.memory_space<hbm>> -> memref<128x64xf32, #tpu.memory_space<hbm>>
      %dma_wait3A_227 = arith.constant 0 : i32
      %dma_wait3A_228 = arith.constant 0 : i32
      %dma_wait3A_229 = tpu.memref_slice %arg3[%dma_wait3A_227, %dma_wait3A_228] : memref<1000000x64xf32, #tpu.memory_space<hbm>> -> memref<128x64xf32, #tpu.memory_space<hbm>>
      tpu.wait_dma2 semaphore(%arg7 : memref<!tpu.dma_semaphore, #tpu.memory_space<semaphore_mem>>) src(%dma_wait3A_229 : memref<128x64xf32, #tpu.memory_space<hbm>>) dst(%arg6 : memref<128x64xf32, #tpu.memory_space<vmem>>)
      %dma_wait3A_230 = arith.constant 0 : i32
      %dma_wait3A_231 = arith.constant 0 : i32
      %dma_wait3A_232 = tpu.memref_slice %arg3[%dma_wait3A_230, %dma_wait3A_231] : memref<1000000x64xf32, #tpu.memory_space<hbm>> -> memref<128x64xf32, #tpu.memory_space<hbm>>
      %dma_wait3A_233 = arith.constant 0 : i32
      %dma_wait3A_234 = arith.constant 0 : i32
      %dma_wait3A_235 = tpu.memref_slice %arg3[%dma_wait3A_233, %dma_wait3A_234] : memref<1000000x64xf32, #tpu.memory_space<hbm>> -> memref<128x64xf32, #tpu.memory_space<hbm>>
      tpu.wait_dma2 semaphore(%arg7 : memref<!tpu.dma_semaphore, #tpu.memory_space<semaphore_mem>>) src(%dma_wait3A_235 : memref<128x64xf32, #tpu.memory_space<hbm>>) dst(%arg6 : memref<128x64xf32, #tpu.memory_space<vmem>>)
      %dma_wait3A_236 = arith.constant 0 : i32
      %dma_wait3A_237 = arith.constant 0 : i32
      %dma_wait3A_238 = tpu.memref_slice %arg3[%dma_wait3A_236, %dma_wait3A_237] : memref<1000000x64xf32, #tpu.memory_space<hbm>> -> memref<128x64xf32, #tpu.memory_space<hbm>>
      %dma_wait3A_239 = arith.constant 0 : i32
      %dma_wait3A_240 = arith.constant 0 : i32
      %dma_wait3A_241 = tpu.memref_slice %arg3[%dma_wait3A_239, %dma_wait3A_240] : memref<1000000x64xf32, #tpu.memory_space<hbm>> -> memref<128x64xf32, #tpu.memory_space<hbm>>
      tpu.wait_dma2 semaphore(%arg7 : memref<!tpu.dma_semaphore, #tpu.memory_space<semaphore_mem>>) src(%dma_wait3A_241 : memref<128x64xf32, #tpu.memory_space<hbm>>) dst(%arg6 : memref<128x64xf32, #tpu.memory_space<vmem>>)
      %scan3A_242 = arith.constant 0 : i32
      scf.yield %scan3A_242 : i32
    }
    %scan3A_80 = arith.constant 24 : i32
    %dma_wait3A = arith.constant 0 : i32
    %dma_wait3A_81 = arith.constant 0 : i32
    %dma_wait3A_82 = tpu.memref_slice %arg3[%dma_wait3A, %dma_wait3A_81] : memref<1000000x64xf32, #tpu.memory_space<hbm>> -> memref<128x64xf32, #tpu.memory_space<hbm>>
    %dma_wait3A_83 = arith.constant 0 : i32
    %dma_wait3A_84 = arith.constant 0 : i32
    %dma_wait3A_85 = tpu.memref_slice %arg3[%dma_wait3A_83, %dma_wait3A_84] : memref<1000000x64xf32, #tpu.memory_space<hbm>> -> memref<128x64xf32, #tpu.memory_space<hbm>>
    tpu.wait_dma2 semaphore(%arg7 : memref<!tpu.dma_semaphore, #tpu.memory_space<semaphore_mem>>) src(%dma_wait3A_85 : memref<128x64xf32, #tpu.memory_space<hbm>>) dst(%arg6 : memref<128x64xf32, #tpu.memory_space<vmem>>)
    %dma_wait3A_86 = arith.constant 0 : i32
    %dma_wait3A_87 = arith.constant 0 : i32
    %dma_wait3A_88 = tpu.memref_slice %arg3[%dma_wait3A_86, %dma_wait3A_87] : memref<1000000x64xf32, #tpu.memory_space<hbm>> -> memref<128x64xf32, #tpu.memory_space<hbm>>
    %dma_wait3A_89 = arith.constant 0 : i32
    %dma_wait3A_90 = arith.constant 0 : i32
    %dma_wait3A_91 = tpu.memref_slice %arg3[%dma_wait3A_89, %dma_wait3A_90] : memref<1000000x64xf32, #tpu.memory_space<hbm>> -> memref<128x64xf32, #tpu.memory_space<hbm>>
    tpu.wait_dma2 semaphore(%arg7 : memref<!tpu.dma_semaphore, #tpu.memory_space<semaphore_mem>>) src(%dma_wait3A_91 : memref<128x64xf32, #tpu.memory_space<hbm>>) dst(%arg6 : memref<128x64xf32, #tpu.memory_space<vmem>>)
    %dma_wait3A_92 = arith.constant 0 : i32
    %dma_wait3A_93 = arith.constant 0 : i32
    %dma_wait3A_94 = tpu.memref_slice %arg3[%dma_wait3A_92, %dma_wait3A_93] : memref<1000000x64xf32, #tpu.memory_space<hbm>> -> memref<128x64xf32, #tpu.memory_space<hbm>>
    %dma_wait3A_95 = arith.constant 0 : i32
    %dma_wait3A_96 = arith.constant 0 : i32
    %dma_wait3A_97 = tpu.memref_slice %arg3[%dma_wait3A_95, %dma_wait3A_96] : memref<1000000x64xf32, #tpu.memory_space<hbm>> -> memref<128x64xf32, #tpu.memory_space<hbm>>
    tpu.wait_dma2 semaphore(%arg7 : memref<!tpu.dma_semaphore, #tpu.memory_space<semaphore_mem>>) src(%dma_wait3A_97 : memref<128x64xf32, #tpu.memory_space<hbm>>) dst(%arg6 : memref<128x64xf32, #tpu.memory_space<vmem>>)
    %dma_wait3A_98 = arith.constant 0 : i32
    %dma_wait3A_99 = arith.constant 0 : i32
    %dma_wait3A_100 = tpu.memref_slice %arg3[%dma_wait3A_98, %dma_wait3A_99] : memref<1000000x64xf32, #tpu.memory_space<hbm>> -> memref<128x64xf32, #tpu.memory_space<hbm>>
    %dma_wait3A_101 = arith.constant 0 : i32
    %dma_wait3A_102 = arith.constant 0 : i32
    %dma_wait3A_103 = tpu.memref_slice %arg3[%dma_wait3A_101, %dma_wait3A_102] : memref<1000000x64xf32, #tpu.memory_space<hbm>> -> memref<128x64xf32, #tpu.memory_space<hbm>>
    tpu.wait_dma2 semaphore(%arg7 : memref<!tpu.dma_semaphore, #tpu.memory_space<semaphore_mem>>) src(%dma_wait3A_103 : memref<128x64xf32, #tpu.memory_space<hbm>>) dst(%arg6 : memref<128x64xf32, #tpu.memory_space<vmem>>)
    %dma_wait3A_104 = arith.constant 0 : i32
    %dma_wait3A_105 = arith.constant 0 : i32
    %dma_wait3A_106 = tpu.memref_slice %arg3[%dma_wait3A_104, %dma_wait3A_105] : memref<1000000x64xf32, #tpu.memory_space<hbm>> -> memref<128x64xf32, #tpu.memory_space<hbm>>
    %dma_wait3A_107 = arith.constant 0 : i32
    %dma_wait3A_108 = arith.constant 0 : i32
    %dma_wait3A_109 = tpu.memref_slice %arg3[%dma_wait3A_107, %dma_wait3A_108] : memref<1000000x64xf32, #tpu.memory_space<hbm>> -> memref<128x64xf32, #tpu.memory_space<hbm>>
    tpu.wait_dma2 semaphore(%arg7 : memref<!tpu.dma_semaphore, #tpu.memory_space<semaphore_mem>>) src(%dma_wait3A_109 : memref<128x64xf32, #tpu.memory_space<hbm>>) dst(%arg6 : memref<128x64xf32, #tpu.memory_space<vmem>>)
    %dma_wait3A_110 = arith.constant 0 : i32
    %dma_wait3A_111 = arith.constant 0 : i32
    %dma_wait3A_112 = tpu.memref_slice %arg3[%dma_wait3A_110, %dma_wait3A_111] : memref<1000000x64xf32, #tpu.memory_space<hbm>> -> memref<128x64xf32, #tpu.memory_space<hbm>>
    %dma_wait3A_113 = arith.constant 0 : i32
    %dma_wait3A_114 = arith.constant 0 : i32
    %dma_wait3A_115 = tpu.memref_slice %arg3[%dma_wait3A_113, %dma_wait3A_114] : memref<1000000x64xf32, #tpu.memory_space<hbm>> -> memref<128x64xf32, #tpu.memory_space<hbm>>
    tpu.wait_dma2 semaphore(%arg7 : memref<!tpu.dma_semaphore, #tpu.memory_space<semaphore_mem>>) src(%dma_wait3A_115 : memref<128x64xf32, #tpu.memory_space<hbm>>) dst(%arg6 : memref<128x64xf32, #tpu.memory_space<vmem>>)
    %dma_wait3A_116 = arith.constant 0 : i32
    %dma_wait3A_117 = arith.constant 0 : i32
    %dma_wait3A_118 = tpu.memref_slice %arg3[%dma_wait3A_116, %dma_wait3A_117] : memref<1000000x64xf32, #tpu.memory_space<hbm>> -> memref<128x64xf32, #tpu.memory_space<hbm>>
    %dma_wait3A_119 = arith.constant 0 : i32
    %dma_wait3A_120 = arith.constant 0 : i32
    %dma_wait3A_121 = tpu.memref_slice %arg3[%dma_wait3A_119, %dma_wait3A_120] : memref<1000000x64xf32, #tpu.memory_space<hbm>> -> memref<128x64xf32, #tpu.memory_space<hbm>>
    tpu.wait_dma2 semaphore(%arg7 : memref<!tpu.dma_semaphore, #tpu.memory_space<semaphore_mem>>) src(%dma_wait3A_121 : memref<128x64xf32, #tpu.memory_space<hbm>>) dst(%arg6 : memref<128x64xf32, #tpu.memory_space<vmem>>)
    %dma_wait3A_122 = arith.constant 0 : i32
    %dma_wait3A_123 = arith.constant 0 : i32
    %dma_wait3A_124 = tpu.memref_slice %arg3[%dma_wait3A_122, %dma_wait3A_123] : memref<1000000x64xf32, #tpu.memory_space<hbm>> -> memref<128x64xf32, #tpu.memory_space<hbm>>
    %dma_wait3A_125 = arith.constant 0 : i32
    %dma_wait3A_126 = arith.constant 0 : i32
    %dma_wait3A_127 = tpu.memref_slice %arg3[%dma_wait3A_125, %dma_wait3A_126] : memref<1000000x64xf32, #tpu.memory_space<hbm>> -> memref<128x64xf32, #tpu.memory_space<hbm>>
    tpu.wait_dma2 semaphore(%arg7 : memref<!tpu.dma_semaphore, #tpu.memory_space<semaphore_mem>>) src(%dma_wait3A_127 : memref<128x64xf32, #tpu.memory_space<hbm>>) dst(%arg6 : memref<128x64xf32, #tpu.memory_space<vmem>>)
    %scan3A_128 = arith.constant 5.000000e-03 : f32
    %scan3A_129 = arith.constant 0 : i32
    %scan3A_130 = arith.constant 0 : i32
    %scan3A_131 = arith.constant 128 : i32
    %scan3A_132 = arith.addi %scan3A_130, %scan3A_131 : i32
    %scan3A_133 = arith.constant 1 : i32
    %scan3A_134 = scf.for %scan3A_136 = %scan3A_130 to %scan3A_132 step %scan3A_133 iter_args(%scan3A_137 = %scan3A_129) -> (i32)  : i32 {
      %get3A = arith.index_cast %scan3A_136 : i32 to index
      %get3A_138 = arith.constant 0 : index
      %get3A_139 = tpu.vector_load %arg6[%get3A, %get3A_138] {strides = array<i32>} : memref<128x64xf32, #tpu.memory_space<vmem>>, vector<1x16xf32>,
      %get3A_140 = vector.shape_cast %get3A_139 : vector<1x16xf32> to vector<16xf32>
      %mul3A_141 = vector.broadcast %scan3A_128 : f32 to vector<16xf32>
      %mul3A_142 = arith.mulf %get3A_140, %mul3A_141 : vector<16xf32>
      %swap3A = arith.index_cast %scan3A_136 : i32 to index
      %swap3A_143 = arith.constant 0 : index
      %swap3A_144 = tpu.vector_load %arg6[%swap3A, %swap3A_143] {strides = array<i32>} : memref<128x64xf32, #tpu.memory_space<vmem>>, vector<1x16xf32>,
      %swap3A_145 = vector.shape_cast %swap3A_144 : vector<1x16xf32> to vector<16xf32>
      %swap3A_146 = vector.shape_cast %mul3A_142 : vector<16xf32> to vector<1x16xf32>
      tpu.vector_store %arg6[%swap3A, %swap3A_143], %swap3A_146 {strides = array<i32>} : memref<128x64xf32, #tpu.memory_space<vmem>>, vector<1x16xf32>,
      %get3A_147 = arith.index_cast %scan3A_136 : i32 to index
      %get3A_148 = arith.constant 16 : index
      %get3A_149 = tpu.vector_load %arg6[%get3A_147, %get3A_148] {strides = array<i32>} : memref<128x64xf32, #tpu.memory_space<vmem>>, vector<1x16xf32>,
      %get3A_150 = vector.shape_cast %get3A_149 : vector<1x16xf32> to vector<16xf32>
      %mul3A_151 = vector.broadcast %scan3A_128 : f32 to vector<16xf32>
      %mul3A_152 = arith.mulf %get3A_150, %mul3A_151 : vector<16xf32>
      %swap3A_153 = arith.index_cast %scan3A_136 : i32 to index
      %swap3A_154 = arith.constant 16 : index
      %swap3A_155 = tpu.vector_load %arg6[%swap3A_153, %swap3A_154] {strides = array<i32>} : memref<128x64xf32, #tpu.memory_space<vmem>>, vector<1x16xf32>,
      %swap3A_156 = vector.shape_cast %swap3A_155 : vector<1x16xf32> to vector<16xf32>
      %swap3A_157 = vector.shape_cast %mul3A_152 : vector<16xf32> to vector<1x16xf32>
      tpu.vector_store %arg6[%swap3A_153, %swap3A_154], %swap3A_157 {strides = array<i32>} : memref<128x64xf32, #tpu.memory_space<vmem>>, vector<1x16xf32>,
      %get3A_158 = arith.index_cast %scan3A_136 : i32 to index
      %get3A_159 = arith.constant 32 : index
      %get3A_160 = tpu.vector_load %arg6[%get3A_158, %get3A_159] {strides = array<i32>} : memref<128x64xf32, #tpu.memory_space<vmem>>, vector<1x16xf32>,
      %get3A_161 = vector.shape_cast %get3A_160 : vector<1x16xf32> to vector<16xf32>
      %mul3A_162 = vector.broadcast %scan3A_128 : f32 to vector<16xf32>
      %mul3A_163 = arith.mulf %get3A_161, %mul3A_162 : vector<16xf32>
      %swap3A_164 = arith.index_cast %scan3A_136 : i32 to index
      %swap3A_165 = arith.constant 32 : index
      %swap3A_166 = tpu.vector_load %arg6[%swap3A_164, %swap3A_165] {strides = array<i32>} : memref<128x64xf32, #tpu.memory_space<vmem>>, vector<1x16xf32>,
      %swap3A_167 = vector.shape_cast %swap3A_166 : vector<1x16xf32> to vector<16xf32>
      %swap3A_168 = vector.shape_cast %mul3A_163 : vector<16xf32> to vector<1x16xf32>
      tpu.vector_store %arg6[%swap3A_164, %swap3A_165], %swap3A_168 {strides = array<i32>} : memref<128x64xf32, #tpu.memory_space<vmem>>, vector<1x16xf32>,
      %get3A_169 = arith.index_cast %scan3A_136 : i32 to index
      %get3A_170 = arith.constant 48 : index
      %get3A_171 = tpu.vector_load %arg6[%get3A_169, %get3A_170] {strides = array<i32>} : memref<128x64xf32, #tpu.memory_space<vmem>>, vector<1x16xf32>,
      %get3A_172 = vector.shape_cast %get3A_171 : vector<1x16xf32> to vector<16xf32>
      %mul3A_173 = vector.broadcast %scan3A_128 : f32 to vector<16xf32>
      %mul3A_174 = arith.mulf %get3A_172, %mul3A_173 : vector<16xf32>
      %swap3A_175 = arith.index_cast %scan3A_136 : i32 to index
      %swap3A_176 = arith.constant 48 : index
      %swap3A_177 = tpu.vector_load %arg6[%swap3A_175, %swap3A_176] {strides = array<i32>} : memref<128x64xf32, #tpu.memory_space<vmem>>, vector<1x16xf32>,
      %swap3A_178 = vector.shape_cast %swap3A_177 : vector<1x16xf32> to vector<16xf32>
      %swap3A_179 = vector.shape_cast %mul3A_174 : vector<16xf32> to vector<1x16xf32>
      tpu.vector_store %arg6[%swap3A_175, %swap3A_176], %swap3A_179 {strides = array<i32>} : memref<128x64xf32, #tpu.memory_space<vmem>>, vector<1x16xf32>,
      %scan3A_180 = arith.constant 0 : i32
      scf.yield %scan3A_180 : i32
    }
    %scan3A_135 = arith.constant 128 : i32
    "tpu.region"() ({
      %run_scoped3A = tpu.sem_alloc : memref<!tpu.dma_semaphore, #tpu.memory_space<semaphore_mem>>
      %dma_start3A_136 = arith.constant 0 : i32
      %dma_start3A_137 = tpu.memref_slice %arg4[%mul3A_2, %dma_start3A_136] : memref<4096x64xf32, #tpu.memory_space<hbm>> -> memref<128x64xf32, #tpu.memory_space<hbm>>
      %dma_start3A_138 = arith.constant 0 : i32
      %dma_start3A_139 = tpu.memref_slice %arg4[%mul3A_2, %dma_start3A_138] : memref<4096x64xf32, #tpu.memory_space<hbm>> -> memref<128x64xf32, #tpu.memory_space<hbm>>
      tpu.enqueue_dma source(%arg6 : memref<128x64xf32, #tpu.memory_space<vmem>>) target(%dma_start3A_139 : memref<128x64xf32, #tpu.memory_space<hbm>>) target_semaphore(%run_scoped3A : memref<!tpu.dma_semaphore, #tpu.memory_space<semaphore_mem>>)
      %dma_wait3A_140 = arith.constant 0 : i32
      %dma_wait3A_141 = tpu.memref_slice %arg4[%mul3A_2, %dma_wait3A_140] : memref<4096x64xf32, #tpu.memory_space<hbm>> -> memref<128x64xf32, #tpu.memory_space<hbm>>
      %dma_wait3A_142 = arith.constant 0 : i32
      %dma_wait3A_143 = tpu.memref_slice %arg4[%mul3A_2, %dma_wait3A_142] : memref<4096x64xf32, #tpu.memory_space<hbm>> -> memref<128x64xf32, #tpu.memory_space<hbm>>
      tpu.wait_dma2 semaphore(%run_scoped3A : memref<!tpu.dma_semaphore, #tpu.memory_space<semaphore_mem>>) src(%arg6 : memref<128x64xf32, #tpu.memory_space<vmem>>) dst(%dma_wait3A_143 : memref<128x64xf32, #tpu.memory_space<hbm>>)
      tpu.yield
    }) : () -> ()
    return
  }
}

</mosaic_0001>

<sc_bundles>
// kernel: _emb_mean.4.cloned.1.call-start
scs
__scs_entry_jumppad:
0x0: {  	(pc) =	sbr.rel $0x88, $3  }
0x1: {  	(tag) =	ssettag $0x0;
	lr =	simm.s32 $0x1  }
0x2: {  	[smem:$0x3F9F] =	sst lr;
	_ =	strace $0xD0000000  }
0x3: {  	_ = 	snop  }
0x4: {  	_ = 	snop  }
0x5: {  	_ = 	snop  }
0x6: {  	_ = 	snop  }
0x7: {  	_ = 	snop  }
__scs_overlays_trampoline_lowered:
0x8: {  	[smem:$0x3FAE] =	sst s0  }
0x9: {  	[smem:$0x3FAF] =	sst s1  }
0xa: {  	[smem:$0x3FB0] =	sst s2  }
0xb: {  	[smem:$0x3FB1] =	sst s3  }
0xc: {  	[smem:$0x3FB2] =	sst s4  }
0xd: {  	[smem:$0x3FB3] =	sst s5  }
0xe: {  	[smem:$0x3FB4] =	sst s6  }
0xf: {  	[smem:$0x3FB5] =	sst s7  }
0x10: {  	[smem:$0x3FB6] =	sst s8  }
0x11: {  	[smem:$0x3FB7] =	sst s9;
	s0 =	simm.s32 @!p0 $0x0  }
0x12: {  	s1 =	sld [smem:$0x3F9D];
	s0 =	simm.s32 @p0 $0x1  }
0x13: {  	[smem:$0x3FB8] =	sst s0;
	s0 =	simm.s32 @!p1 $0x0  }
0x14: {  	s2 =	sld [smem:$0x3F9C];
	s0 =	simm.s32 @p1 $0x1  }
0x15: {  	[smem:$0x3FB9] =	sst s0;
	s0 =	simm.s32 @!p2 $0x0  }
0x16: {  	s3 =	sld [smem:$0x3FDB];
	s0 =	simm.s32 @p2 $0x1  }
0x17: {  	s4 =	simm.s32 $0x1BF5;
	[smem:$0x3FBB] =	sst s0  }
0x18: {  	s0 =	sld [smem:$0x3F9E];
	_ =	swait.ge [sflag:s4], $0x0  }
0x19: {  	s7 =	sld [smem:$0x3F9F]  }
0x1a: {  	s8 =	sadd.s32 $0xFFFFE003, lr  }
0x1b: {  	s9 =	sadd.s32 $0xFFFFFEF7, lr;
	s5 =	simm.s32 $0xFFFFFFFF;
	p2 =	slt.u32 s8, $0xFFFFF086  }
0x1c: {  	p1 =	slt.u32 s9, $0xF7A;
	s5 =	simm.s32 @!p2 $0x0  }
0x1d: {  	s5 =	simm.s32 @p1 $0x1;
	p0 =	seq.s32 s7, s2  }
0x1e: {  	s7 =	smul.u32 @!p0 $0xF7A, s2;
	p2 =	seq.s32 @!p0 s5, $0x0  }
0x1f: {  	s9 =	smul.u32 $0xF7A, s1;
	s8 =	simm.s32 @!p0 $0x1BF5;
	p2 =	por !p2, p0  }
0x20: {  	[sflag:s8] =	ssyncset.s32 @!p0 $0xFFFFF086;
	s6 =	sadd.s32 @!p0 s3, s7;
	s7 =	simm.s32 @!p0 $0x108  }
0x21: {  	s3 =	sadd.s32 s3, s9;
	s6 =	sadd.s32 @!p0 $0x88, s6;
	s7 =	simm.s32 @p2 $0x1082  }
0x22: {  	[simem:s7], [sflag:s8] =	dma.local @!p0 [hbm:s6], $0xF7A  }
0x23: {  	s9 =	sor.u32 $0xD0000000, s2;
	s6 =	simm.s32 $0x108;
	_ =	swait.ge @!p0 [sflag:s8], $0x0  }
0x24: {  	s3 =	sadd.s32 $0x88, s3;
	s6 =	simm.s32 @!p1 $0x1082;
	[sflag:s4] =	ssyncset.s32 $0xFFFFF086  }
0x25: {  	[simem:s6], [sflag:s4] =	dma.local [hbm:s3], $0xF7A  }
0x26: {  	[smem:$0x3F9F] =	sst s1;
	(tag) =	ssettag s2;
	_ =	strace s9  }
0x27: {  	s1 =	sld [smem:$0x3FAF]  }
0x28: {  	s2 =	sld [smem:$0x3FB0]  }
0x29: {  	s4 =	sld [smem:$0x3FB2]  }
0x2a: {  	p0 =	seq.s32 s5, $0x0;
	s5 =	sld [smem:$0x3FB3]  }
0x2b: {  	s6 =	sld [smem:$0x3FB4]  }
0x2c: {  	s7 =	sld [smem:$0x3FB5]  }
0x2d: {  	s3 =	simm.s32 $0x108;
	s8 =	sld [smem:$0x3FB6]  }
0x2e: {  	s3 =	simm.s32 @!p0 $0x1082;
	s9 =	sld [smem:$0x3FB7]  }
0x2f: {  	lr =	sadd.s32 s0, s3;
	s0 =	sld [smem:$0x3FAE]  }
0x30: {  	s3 =	sld [smem:$0x3FB1]  }
0x31: {  	[smem:$0x3FBA] =	sst s10  }
0x32: {  	s10 =	sld [smem:$0x3FB8];
	_ =	sdelay $0x3  }
0x33: {  	p0 =	seq.s32 s10, $0x1;
	s10 =	sld [smem:$0x3FBA];
	_ =	sdelay $0x3  }
0x34: {  	[smem:$0x3FBA] =	sst s10  }
0x35: {  	s10 =	sld [smem:$0x3FB9];
	_ =	sdelay $0x3  }
0x36: {  	p1 =	seq.s32 s10, $0x1;
	s10 =	sld [smem:$0x3FBA];
	_ =	sdelay $0x3  }
0x37: {  	[smem:$0x3FBA] =	sst s10  }
0x38: {  	s10 =	sld [smem:$0x3FBB]  }
0x39: {  	_ = 	snop;
	(pc) =	sbr.ind lr, $3  }
0x3a: {  	_ = 	snop  }
0x3b: {  	_ = 	snop  }
0x3c: {  	p2 =	seq.s32 s10, $0x1;
	s10 =	sld [smem:$0x3FBA]  }
0x3d: {  	_ =	shalt  }
0x3e: {  	_ =	shalt  }
0x3f: {  	_ =	shalt  }
0x40: {  	_ =	shalt  }
0x41: {  	_ =	shalt  }
0x42: {  	_ =	shalt  }
0x43: {  	_ =	shalt  }
0x44: {  	_ =	shalt  }
0x45: {  	_ =	shalt  }
0x46: {  	_ =	shalt  }
0x47: {  	_ =	shalt  }
0x48: {  	_ =	shalt  }
0x49: {  	_ =	shalt  }
0x4a: {  	_ =	shalt  }
0x4b: {  	_ =	shalt  }
0x4c: {  	_ =	shalt  }
0x4d: {  	_ =	shalt  }
0x4e: {  	_ =	shalt  }
0x4f: {  	_ =	shalt  }
0x50: {  	_ =	shalt  }
0x51: {  	_ =	shalt  }
0x52: {  	_ =	shalt  }
0x53: {  	_ =	shalt  }
0x54: {  	_ =	shalt  }
0x55: {  	_ =	shalt  }
0x56: {  	_ =	shalt  }
0x57: {  	_ =	shalt  }
0x58: {  	_ =	shalt  }
0x59: {  	_ =	shalt  }
0x5a: {  	_ =	shalt  }
0x5b: {  	_ =	shalt  }
0x5c: {  	_ =	shalt  }
0x5d: {  	_ =	shalt  }
0x5e: {  	_ =	shalt  }
0x5f: {  	_ =	shalt  }
0x60: {  	_ =	shalt  }
0x61: {  	_ =	shalt  }
0x62: {  	_ =	shalt  }
0x63: {  	_ =	shalt  }
0x64: {  	_ =	shalt  }
0x65: {  	_ =	shalt  }
0x66: {  	_ =	shalt  }
0x67: {  	_ =	shalt  }
0x68: {  	_ =	shalt  }
0x69: {  	_ =	shalt  }
0x6a: {  	_ =	shalt  }
0x6b: {  	_ =	shalt  }
0x6c: {  	_ =	shalt  }
0x6d: {  	_ =	shalt  }
0x6e: {  	_ =	shalt  }
0x6f: {  	_ =	shalt  }
0x70: {  	_ =	shalt  }
0x71: {  	_ =	shalt  }
0x72: {  	_ =	shalt  }
0x73: {  	_ =	shalt  }
0x74: {  	_ =	shalt  }
0x75: {  	_ =	shalt  }
0x76: {  	_ =	shalt  }
0x77: {  	_ =	shalt  }
0x78: {  	_ =	shalt  }
0x79: {  	_ =	shalt  }
0x7a: {  	_ =	shalt  }
0x7b: {  	_ =	shalt  }
0x7c: {  	_ =	shalt  }
0x7d: {  	_ =	shalt  }
0x7e: {  	_ =	shalt  }
0x7f: {  	_ =	shalt  }
0x80: {  	_ =	shalt  }
0x81: {  	_ =	shalt  }
0x82: {  	_ =	shalt  }
0x83: {  	_ =	shalt  }
0x84: {  	_ =	shalt  }
0x85: {  	_ =	shalt  }
0x86: {  	_ =	shalt  }
0x87: {  	_ =	shalt  }
.Lfunc_end0:
.L_simem_size_0:
called_computation_lowered:
.L_overlay_start_0:
0x88: {  	s2 =	sld [smem:$0x3FD9]  }
0x89: {  	s3 =	sld [smem:$0x3FFE];
	_ =	sdelay $0x1  }
0x8a: {  	s1 =	srdreg.scid  }
0x8b: {  	s0 =	sand.u32 $0x1, s1  }
0x8c: {  	s17 =	sshll.u32 s0, $0xA;
	s2 =	sadd.s32 s3, s2  }
0x8d: {  	s2 =	sadd.s32 s2, s17  }
0x8e: {  	[smem:$0x3FC6] =	sst s2  }
0x8f: {  	_ = 	snop  }
0x90: {  	s2 =	sld [smem:$0x3FC9];
	(tm) =	ssettm $0x1  }
0x91: {  	s18 =	sld [smem:$0x3FFB];
	_ =	sdelay $0x3  }
0x92: {  	_ =	strace s18  }
0x93: {  	s3 =	sld [smem:$0x3FFC];
	_ =	sdelay $0x3  }
0x94: {  	_ =	strace s3  }
0x95: {  	s3 =	sld [smem:$0x3FFD];
	_ =	sdelay $0x3  }
0x96: {  	_ =	strace s3  }
0x97: {  	_ =	strace $0x8FFFFFFF  }
0x98: {  	s19 =	sld [smem:$0x3FDB];
	_ =	sdelay $0x1  }
0x99: {  	s4 =	simm.s32 $_scs_section_size  }
0x9a: {  	s5 =	simm.s32 $_size__tile_overlayer_lowered;
	s6 =	simm.s32 $_tile_overlayer_lowered  }
0x9b: {  	s22 =	simm.s32 $0x1BFF;
	s21 =	sshll.u32 s6, $0x1;
	s3 =	sadd.s32 s4, s19  }
0x9c: {  	s7 =	simm.s32 $0x0;
	s20 =	sshll.u32 s5, $0x1;
	s5 =	sadd.s32 s21, s3  }
0x9d: {  	[timem:s7], [sflag:s22] =	dma.local [hbm:s5], s20  }
0x9e: {  	_ =	swait.ge [sflag:s22], s20  }
0x9f: {  	s4 =	ssub.s32 $0x0, s20;
	[sflag:s22] =	ssyncset.done $0x0  }
0xa0: {  	[sflag:s22] =	ssyncadd.s32 s4;
	_ =	sdelay $0x1  }
0xa1: {  	s23 =	simm.s32 $0x1B8B  }
0xa2: {  	_ =	swait.ge [sflag:s23], $0x1  }
0xa3: {  	[sflag:s23] =	ssyncset.done $0x0  }
0xa4: {  	s25 =	simm.s32 $0x1B8E;
	s24 =	sld [smem:$0x3FFE];
	[sflag:s23] =	ssyncadd.s32 $0xFFFFFFFF  }
0xa5: {  	s26 =	simm.s32 $execute0_lowered;
	[smem:$0x3FD2] =	sst s25  }
0xa6: {  	s5 =	sshll.u32 s26, $0x1;
	_ =	strace $0x80000046;
	[dreg:$0x1] =	wrdreg $0xFFFFFFFF  }
0xa7: {  	s28 =	simm.s32 $_size_execute0_lowered;
	s3 =	sadd.s32 s3, s5;
	[dreg:$0x0] =	wrdreg $0x0  }
0xa8: {  	s5 =	sshll.u32 s28, $0x1;
	[dreg:$0x2] =	wrdreg s3  }
0xa9: {  	[dreg:$0x3] =	wrdreg s5  }
0xaa: {  	[dreg:$0x4] =	wrdreg $0xC0  }
0xab: {  	_ =	task [dreg:s7], $0x5FFFF  }
0xac: {  	[dreg:$0x1] =	wrdreg $0xFFFFFFFF  }
0xad: {  	[dreg:$0x0] =	wrdreg $0x60  }
0xae: {  	[dreg:$0x2] =	wrdreg s2  }
0xaf: {  	[dreg:$0x3] =	wrdreg s24  }
0xb0: {  	[dreg:$0x4] =	wrdreg $0x9  }
0xb1: {  	_ =	task.clear_ibuf [dreg:s7], $0x5FFFF;
	_ =	strace $0x90000046  }
0xb2: {  	s29 =	simm.s32 $0x9;
	_ =	strace $0x80000048  }
0xb3: {  	_ =	swait.ge [sflag:s29], $0x1  }
0xb4: {  	[sflag:s29] =	ssyncadd.s32 $0xFFFFFFFF  }
0xb5: {  	_ =	strace $0x90000048  }
0xb6: {  	_ =	sfence  }
0xb7: {  	s30 =	sld [smem:$0x0];
	_ =	sdelay $0x2  }
0xb8: {  	s31 =	sshll.u32 s1, $0xD;
	s1 =	sshrl.u32 s1, $0x2  }
0xb9: {  	s3 =	sand.u32 $0x4000, s31;
	s1 =	sadd.s32 s1, s30  }
0xba: {  	s0 =	sor.u32 s3, s0;
	s1 =	sshll.u32 s1, $0x11  }
0xbb: {  	s0 =	sor.u32 s1, s0  }
0xbc: {  	s0 =	sadd.s32 $0x8F2B, s0  }
0xbd: {  	[sflag:s0] =	ssyncadd.remote.s32 $0x1  }
0xbe: {  	_ =	sfence.sel $0xFFFF  }
0xbf: {  	[dreg:$0x0] =	wrdreg $0xFFFFFFFF;
	(pc) =	sbr.abs _section_cstart, $3  }
0xc0: {  	[dreg:$0x1] =	wrdreg $0xFFFFFFFF  }
0xc1: {  	_ =	task.clear_ibuf [dreg:s7], $0x2FFFF;
	_ =	strace $0x9FFFFFFF  }
0xc2: {  	(tm) =	ssettm $0x7FFFFFFF  }
0xc3: {  	_ =	shalt  }
tec
execute0_lowered:
.L_overlay_start_1:
0x0: {  	(tag) =	ssettag $0x1  }
0x1: {  	s1 =	srdreg.scid;
	s7 =	stileid.u32  }
0x2: {  	s1 =	sand.u32 $0x1, s1;
	s2 =	sshll.u32 s7, $0x1  }
0x3: {  	s5 =	sor.u32 s1, s2  }
0x4: {  	s3 =	rddreg [dreg:$0x0];
	s6 =	sshll.u32 s5, $0x7  }
0x5: {  	s4 =	rddreg [dreg:$0x1];
	s2 =	simm.s32 $0x0;
	s6 =	sadd.s32 s3, s6  }
0x6: {  	[smem:$0x7FF] =	sst s2;
	s3 =	sadd.s32 $0x1000, s6  }
0x7: {  	_ =	strace $0x80000047;
	s23 =	sadd.s32 $0x2000, s6;
	[dreg:$0x3] =	wrdreg s3  }
0x8: {  	s24 =	sadd.s32 $0x3000, s6;
	[dreg:$0x4] =	wrdreg s23  }
0x9: {  	s25 =	sadd.s32 $0x4000, s6;
	[dreg:$0x5] =	wrdreg s24  }
0xa: {  	s26 =	sadd.s32 $0x5000, s6;
	[dreg:$0x6] =	wrdreg s25  }
0xb: {  	s0 =	sadd.s32 $0x6000, s6;
	[dreg:$0x7] =	wrdreg s26  }
0xc: {  	s8 =	sadd.s32 $0x7000, s6;
	[dreg:$0x8] =	wrdreg s0  }
0xd: {  	s9 =	sadd.s32 $0x8000, s6;
	[dreg:$0x9] =	wrdreg s8  }
0xe: {  	s10 =	sadd.s32 $0x9000, s6;
	[dreg:$0xa] =	wrdreg s9  }
0xf: {  	s11 =	sadd.s32 $0xA000, s6;
	[dreg:$0xb] =	wrdreg s10  }
0x10: {  	s12 =	sadd.s32 $0xB000, s6;
	[dreg:$0xc] =	wrdreg s11  }
0x11: {  	s13 =	sadd.s32 $0xC000, s6;
	[dreg:$0xd] =	wrdreg s12  }
0x12: {  	s14 =	sadd.s32 $0xD000, s6;
	[dreg:$0xe] =	wrdreg s13  }
0x13: {  	s15 =	sadd.s32 $0xE000, s6;
	[dreg:$0xf] =	wrdreg s14  }
0x14: {  	s31 =	simm.s32 $0x400;
	s16 =	sadd.s32 $0xF000, s6;
	[dreg:$0x10] =	wrdreg s15  }
0x15: {  	s30 =	simm.s32 $0x800;
	s17 =	sadd.s32 $0x10000, s6;
	[dreg:$0x11] =	wrdreg s16  }
0x16: {  	s29 =	simm.s32 $0xC00;
	s18 =	sadd.s32 $0x11000, s6;
	[dreg:$0x12] =	wrdreg s17  }
0x17: {  	s28 =	simm.s32 $0x1000;
	s19 =	sadd.s32 $0x12000, s6;
	[dreg:$0x13] =	wrdreg s18  }
0x18: {  	p0 =	por $0x0, $0x0;
	s20 =	sadd.s32 $0x13000, s6;
	[dreg:$0x14] =	wrdreg s19  }
0x19: {  	s5 =	smul.u32 $0xC80, s5;
	s21 =	sadd.s32 $0x14000, s6;
	[dreg:$0x15] =	wrdreg s20  }
0x1a: {  	s1 =	ssub.s32 $0x2, s1;
	s22 =	sadd.s32 $0x15000, s6;
	[dreg:$0x16] =	wrdreg s21  }
0x1b: {  	s4 =	sadd.s32 s5, s4;
	s5 =	simm.s32 $0x1;
	[dreg:$0x17] =	wrdreg s22  }
0x1c: {  	s23 =	sadd.s32 $0x16000, s6;
	s24 =	sadd.s32 $0x17000, s6;
	s25 =	sshrl.u32 s1, $0x1  }
0x1d: {  	s26 =	sadd.s32 $0x18000, s6;
	s3 =	sadd.s32 $0x800, s4;
	s22 =	simm.s32 $0x2400  }
0x1e: {  	s21 =	simm.s32 $0x2800;
	s20 =	simm.s32 $0x2C00;
	s19 =	simm.s32 $0x3000  }
0x1f: {  	s18 =	simm.s32 $0x3400;
	s17 =	simm.s32 $0x3800;
	s1 =	ssub.s32 s1, s25  }
0x20: {  	s16 =	simm.s32 $0x3C00;
	s15 =	simm.s32 $0x4000;
	s1 =	smax.u32 s1, $0x1  }
0x21: {  	s14 =	simm.s32 $0x4400;
	s12 =	simm.s32 $0x4800;
	p1 =	sne.s32 s1, $0x1  }
.Ltmp0:
0x22: {  	s10 =	simm.s32 $0x4C00;
	s13 =	simm.s32 $0x5400;
	(pc) =	sbr.rel @!p1 .LBB2_5-.Ltmp0, $4  }
0x23: {  	s11 =	simm.s32 $0x5800;
	s8 =	simm.s32 $0x5C00;
	[dreg:$0x18] =	wrdreg s23  }
0x24: {  	s9 =	simm.s32 $0x6000;
	s4 =	simm.s32 $0x2;
	[dreg:$0x19] =	wrdreg s24  }
0x25: {  	[dreg:$0x1a] =	wrdreg s26;
	s26 =	simm.s32 $0x1400;
	s25 =	simm.s32 $0x1800  }
0x26: {  	s24 =	simm.s32 $0x1C00;
	s23 =	simm.s32 $0x2000;
	s0 =	sadd.s32 $0xFFFFFFFF, s1  }
0x27: {  	[dreg:$0x1b] =	wrdreg s0  }
0x28: {  	[tilespmem:s2], [sflag:$0x1] =	stream.linear.gather [hbm4b:s6+s2], $0x400, $0x38;
	[tilespmem:$0x6400] =	vst v63  }
0x29: {  	s7 =	rddreg [dreg:$0x3]  }
0x2a: {  	[tilespmem:s31], [sflag:$0x1] =	stream.linear.gather [hbm4b:s7+s2], $0x400, $0x38;
	[tilespmem:$0x6400] =	vst v63  }
0x2b: {  	s1 =	rddreg [dreg:$0x4]  }
0x2c: {  	[tilespmem:s30], [sflag:$0x1] =	stream.linear.gather [hbm4b:s1+s2], $0x400, $0x38;
	[tilespmem:$0x6400] =	vst v63  }
0x2d: {  	s7 =	rddreg [dreg:$0x5]  }
0x2e: {  	[tilespmem:s29], [sflag:$0x1] =	stream.linear.gather [hbm4b:s7+s2], $0x400, $0x38;
	[tilespmem:$0x6400] =	vst v63  }
0x2f: {  	s1 =	rddreg [dreg:$0x6]  }
0x30: {  	[tilespmem:s28], [sflag:$0x1] =	stream.linear.gather [hbm4b:s1+s2], $0x400, $0x38;
	[tilespmem:$0x6400] =	vst v63  }
0x31: {  	s7 =	rddreg [dreg:$0x7]  }
0x32: {  	[tilespmem:s26], [sflag:$0x1] =	stream.linear.gather [hbm4b:s7+s2], $0x400, $0x38;
	[tilespmem:$0x6400] =	vst v63  }
0x33: {  	s1 =	rddreg [dreg:$0x8]  }
0x34: {  	[tilespmem:s25], [sflag:$0x1] =	stream.linear.gather [hbm4b:s1+s2], $0x400, $0x38;
	[tilespmem:$0x6400] =	vst v63  }
0x35: {  	s7 =	rddreg [dreg:$0x9]  }
0x36: {  	[tilespmem:s24], [sflag:$0x1] =	stream.linear.gather [hbm4b:s7+s2], $0x400, $0x38;
	[tilespmem:$0x6400] =	vst v63  }
0x37: {  	s1 =	rddreg [dreg:$0xa]  }
0x38: {  	[tilespmem:s23], [sflag:$0x1] =	stream.linear.gather [hbm4b:s1+s2], $0x400, $0x38;
	[tilespmem:$0x6400] =	vst v63  }
0x39: {  	s7 =	rddreg [dreg:$0xb]  }
0x3a: {  	[tilespmem:s22], [sflag:$0x1] =	stream.linear.gather [hbm4b:s7+s2], $0x400, $0x38;
	[tilespmem:$0x6400] =	vst v63  }
0x3b: {  	s1 =	rddreg [dreg:$0xc]  }
0x3c: {  	[tilespmem:s21], [sflag:$0x1] =	stream.linear.gather [hbm4b:s1+s2], $0x400, $0x38;
	[tilespmem:$0x6400] =	vst v63  }
0x3d: {  	s7 =	rddreg [dreg:$0xd]  }
0x3e: {  	[tilespmem:s20], [sflag:$0x1] =	stream.linear.gather [hbm4b:s7+s2], $0x400, $0x38;
	[tilespmem:$0x6400] =	vst v63  }
0x3f: {  	s1 =	rddreg [dreg:$0xe]  }
0x40: {  	[tilespmem:s19], [sflag:$0x1] =	stream.linear.gather [hbm4b:s1+s2], $0x400, $0x38;
	[tilespmem:$0x6400] =	vst v63  }
0x41: {  	s7 =	rddreg [dreg:$0xf]  }
0x42: {  	[tilespmem:s18], [sflag:$0x1] =	stream.linear.gather [hbm4b:s7+s2], $0x400, $0x38;
	[tilespmem:$0x6400] =	vst v63  }
0x43: {  	s1 =	rddreg [dreg:$0x10]  }
0x44: {  	[tilespmem:s17], [sflag:$0x1] =	stream.linear.gather [hbm4b:s1+s2], $0x400, $0x38;
	[tilespmem:$0x6400] =	vst v63  }
0x45: {  	s7 =	rddreg [dreg:$0x11]  }
0x46: {  	[tilespmem:s16], [sflag:$0x1] =	stream.linear.gather [hbm4b:s7+s2], $0x400, $0x38;
	[tilespmem:$0x6400] =	vst v63  }
0x47: {  	s1 =	rddreg [dreg:$0x12]  }
0x48: {  	[tilespmem:s15], [sflag:$0x1] =	stream.linear.gather [hbm4b:s1+s2], $0x400, $0x38;
	[tilespmem:$0x6400] =	vst v63  }
0x49: {  	s7 =	rddreg [dreg:$0x13]  }
0x4a: {  	[tilespmem:s14], [sflag:$0x1] =	stream.linear.gather [hbm4b:s7+s2], $0x400, $0x38;
	[tilespmem:$0x6400] =	vst v63  }
0x4b: {  	s1 =	rddreg [dreg:$0x14]  }
0x4c: {  	[tilespmem:s12], [sflag:$0x1] =	stream.linear.gather [hbm4b:s1+s2], $0x400, $0x38;
	[tilespmem:$0x6400] =	vst v63  }
0x4d: {  	s7 =	rddreg [dreg:$0x15]  }
0x4e: {  	[tilespmem:s10], [sflag:$0x1] =	stream.linear.gather [hbm4b:s7+s2], $0x400, $0x38;
	[tilespmem:$0x6400] =	vst v63  }
0x4f: {  	s1 =	rddreg [dreg:$0x16];
	s7 =	simm.s32 $0x5000  }
0x50: {  	[tilespmem:s7], [sflag:$0x1] =	stream.linear.gather [hbm4b:s1+s2], $0x400, $0x38;
	[tilespmem:$0x6400] =	vst v63  }
0x51: {  	s0 =	rddreg [dreg:$0x17]  }
0x52: {  	[tilespmem:s13], [sflag:$0x1] =	stream.linear.gather [hbm4b:s0+s2], $0x400, $0x38;
	[tilespmem:$0x6400] =	vst v63  }
0x53: {  	s7 =	rddreg [dreg:$0x18]  }
0x54: {  	[tilespmem:s11], [sflag:$0x1] =	stream.linear.gather [hbm4b:s7+s2], $0x400, $0x38;
	[tilespmem:$0x6400] =	vst v63  }
0x55: {  	s0 =	rddreg [dreg:$0x19]  }
0x56: {  	[tilespmem:s8], [sflag:$0x1] =	stream.linear.gather [hbm4b:s0+s2], $0x400, $0x38;
	[tilespmem:$0x6400] =	vst v63  }
0x57: {  	s7 =	rddreg [dreg:$0x1a]  }
0x58: {  	[tilespmem:s9], [sflag:$0x1] =	stream.linear.gather [hbm4b:s7+s2], $0x400, $0x38;
	[tilespmem:$0x6400] =	vst v63  }
0x59: {  	_ =	swait.ge [sflag:s5], $0x400  }
0x5a: {  	[sflag:s5] =	ssyncset.done $0x0  }
0x5b: {  	[sflag:s5] =	ssyncadd.s32 $0xFFFFFC00  }
0x5c: {  	_ =	swait.ge [sflag:s5], $0x400  }
0x5d: {  	[sflag:s5] =	ssyncset.done $0x0  }
0x5e: {  	[sflag:s5] =	ssyncadd.s32 $0xFFFFFC00  }
0x5f: {  	_ =	swait.ge [sflag:s5], $0x400  }
0x60: {  	[sflag:s5] =	ssyncset.done $0x0  }
0x61: {  	[sflag:s5] =	ssyncadd.s32 $0xFFFFFC00  }
0x62: {  	_ =	swait.ge [sflag:s5], $0x400  }
0x63: {  	[sflag:s5] =	ssyncset.done $0x0  }
0x64: {  	[sflag:s5] =	ssyncadd.s32 $0xFFFFFC00  }
0x65: {  	_ =	swait.ge [sflag:s5], $0x400  }
0x66: {  	[sflag:s5] =	ssyncset.done $0x0  }
0x67: {  	[sflag:s5] =	ssyncadd.s32 $0xFFFFFC00  }
0x68: {  	_ =	swait.ge [sflag:s5], $0x400  }
0x69: {  	[sflag:s5] =	ssyncset.done $0x0  }
0x6a: {  	[sflag:s5] =	ssyncadd.s32 $0xFFFFFC00  }
0x6b: {  	_ =	swait.ge [sflag:s5], $0x400  }
0x6c: {  	[sflag:s5] =	ssyncset.done $0x0  }
0x6d: {  	[sflag:s5] =	ssyncadd.s32 $0xFFFFFC00  }
0x6e: {  	_ =	swait.ge [sflag:s5], $0x400  }
0x6f: {  	[sflag:s5] =	ssyncset.done $0x0  }
0x70: {  	[sflag:s5] =	ssyncadd.s32 $0xFFFFFC00  }
0x71: {  	_ =	swait.ge [sflag:s5], $0x400  }
0x72: {  	[sflag:s5] =	ssyncset.done $0x0  }
0x73: {  	[sflag:s5] =	ssyncadd.s32 $0xFFFFFC00  }
0x74: {  	_ =	swait.ge [sflag:s5], $0x400  }
0x75: {  	[sflag:s5] =	ssyncset.done $0x0  }
0x76: {  	[sflag:s5] =	ssyncadd.s32 $0xFFFFFC00  }
0x77: {  	_ =	swait.ge [sflag:s5], $0x400  }
0x78: {  	[sflag:s5] =	ssyncset.done $0x0  }
0x79: {  	[sflag:s5] =	ssyncadd.s32 $0xFFFFFC00  }
0x7a: {  	_ =	swait.ge [sflag:s5], $0x400  }
0x7b: {  	[sflag:s5] =	ssyncset.done $0x0  }
0x7c: {  	[sflag:s5] =	ssyncadd.s32 $0xFFFFFC00  }
0x7d: {  	_ =	swait.ge [sflag:s5], $0x400  }
0x7e: {  	[sflag:s5] =	ssyncset.done $0x0  }
0x7f: {  	[sflag:s5] =	ssyncadd.s32 $0xFFFFFC00  }
0x80: {  	_ =	swait.ge [sflag:s5], $0x400  }
0x81: {  	[sflag:s5] =	ssyncset.done $0x0  }
0x82: {  	[sflag:s5] =	ssyncadd.s32 $0xFFFFFC00  }
0x83: {  	_ =	swait.ge [sflag:s5], $0x400  }
0x84: {  	[sflag:s5] =	ssyncset.done $0x0  }
0x85: {  	[sflag:s5] =	ssyncadd.s32 $0xFFFFFC00  }
0x86: {  	_ =	swait.ge [sflag:s5], $0x400  }
0x87: {  	[sflag:s5] =	ssyncset.done $0x0  }
0x88: {  	[sflag:s5] =	ssyncadd.s32 $0xFFFFFC00  }
0x89: {  	_ =	swait.ge [sflag:s5], $0x400  }
0x8a: {  	[sflag:s5] =	ssyncset.done $0x0  }
0x8b: {  	[sflag:s5] =	ssyncadd.s32 $0xFFFFFC00  }
0x8c: {  	_ =	swait.ge [sflag:s5], $0x400  }
0x8d: {  	[sflag:s5] =	ssyncset.done $0x0  }
0x8e: {  	[sflag:s5] =	ssyncadd.s32 $0xFFFFFC00  }
0x8f: {  	_ =	swait.ge [sflag:s5], $0x400  }
0x90: {  	[sflag:s5] =	ssyncset.done $0x0  }
0x91: {  	[sflag:s5] =	ssyncadd.s32 $0xFFFFFC00  }
0x92: {  	_ =	swait.ge [sflag:s5], $0x400  }
0x93: {  	[sflag:s5] =	ssyncset.done $0x0  }
0x94: {  	[sflag:s5] =	ssyncadd.s32 $0xFFFFFC00  }
0x95: {  	_ =	swait.ge [sflag:s5], $0x400  }
0x96: {  	[sflag:s5] =	ssyncset.done $0x0  }
0x97: {  	[sflag:s5] =	ssyncadd.s32 $0xFFFFFC00  }
0x98: {  	_ =	swait.ge [sflag:s5], $0x400  }
0x99: {  	[sflag:s5] =	ssyncset.done $0x0  }
0x9a: {  	[sflag:s5] =	ssyncadd.s32 $0xFFFFFC00  }
0x9b: {  	_ =	swait.ge [sflag:s5], $0x400  }
0x9c: {  	[sflag:s5] =	ssyncset.done $0x0  }
0x9d: {  	[sflag:s5] =	ssyncadd.s32 $0xFFFFFC00  }
0x9e: {  	_ =	swait.ge [sflag:s5], $0x400  }
0x9f: {  	[sflag:s5] =	ssyncset.done $0x0  }
0xa0: {  	[sflag:s5] =	ssyncadd.s32 $0xFFFFFC00  }
0xa1: {  	_ =	swait.ge [sflag:s5], $0x400  }
0xa2: {  	s7 =	rddreg [dreg:$0x1b]  }
0xa3: {  	p1 =	sne.s32 s7, $0x1  }
.Ltmp1:
0xa4: {  	[sflag:s5] =	ssyncset.done $0x0;
	(pc) =	sbr.rel @!p1 .LBB2_2-.Ltmp1, $4  }
0xa5: {  	[sflag:s5] =	ssyncadd.s32 $0xFFFFFC00  }
0xa6: {  	[hbm4b:s3+s2] =	stream.linear.scatter [tilespmem:s2], [sflag:$0x2], $0x6400, $0x38;
	[tilespmem:$0x6400] =	vst v63  }
0xa7: {  	_ =	swait.ge [sflag:s4], $0x6400  }
0xa8: {  	p0 =	por $0x1, $0x1;
	s1 =	sadd.s32 $0xFFFFFFFF, s7;
	[sflag:s4] =	ssyncset.done $0x0  }
.LBB2_3:
0xa9: {  	[sflag:s4] =	ssyncadd.s32 $0xFFFF9C00  }
0xaa: {  	[tilespmem:s2], [sflag:$0x1] =	stream.linear.gather [hbm4b:s6+s2], $0x400, $0x38;
	[tilespmem:$0x6400] =	vst v63  }
0xab: {  	s0 =	rddreg [dreg:$0x3]  }
0xac: {  	[tilespmem:s31], [sflag:$0x1] =	stream.linear.gather [hbm4b:s0+s2], $0x400, $0x38;
	[tilespmem:$0x6400] =	vst v63  }
0xad: {  	s7 =	rddreg [dreg:$0x4]  }
0xae: {  	[tilespmem:s30], [sflag:$0x1] =	stream.linear.gather [hbm4b:s7+s2], $0x400, $0x38;
	[tilespmem:$0x6400] =	vst v63  }
0xaf: {  	s8 =	rddreg [dreg:$0x5]  }
0xb0: {  	[tilespmem:s29], [sflag:$0x1] =	stream.linear.gather [hbm4b:s8+s2], $0x400, $0x38;
	[tilespmem:$0x6400] =	vst v63  }
0xb1: {  	s7 =	rddreg [dreg:$0x6]  }
0xb2: {  	[tilespmem:s28], [sflag:$0x1] =	stream.linear.gather [hbm4b:s7+s2], $0x400, $0x38;
	[tilespmem:$0x6400] =	vst v63  }
0xb3: {  	s8 =	rddreg [dreg:$0x7]  }
0xb4: {  	[tilespmem:s26], [sflag:$0x1] =	stream.linear.gather [hbm4b:s8+s2], $0x400, $0x38;
	[tilespmem:$0x6400] =	vst v63  }
0xb5: {  	s7 =	rddreg [dreg:$0x8]  }
0xb6: {  	[tilespmem:s25], [sflag:$0x1] =	stream.linear.gather [hbm4b:s7+s2], $0x400, $0x38;
	[tilespmem:$0x6400] =	vst v63  }
0xb7: {  	s8 =	rddreg [dreg:$0x9]  }
0xb8: {  	[tilespmem:s24], [sflag:$0x1] =	stream.linear.gather [hbm4b:s8+s2], $0x400, $0x38;
	[tilespmem:$0x6400] =	vst v63  }
0xb9: {  	s7 =	rddreg [dreg:$0xa]  }
0xba: {  	[tilespmem:s23], [sflag:$0x1] =	stream.linear.gather [hbm4b:s7+s2], $0x400, $0x38;
	[tilespmem:$0x6400] =	vst v63  }
0xbb: {  	s8 =	rddreg [dreg:$0xb]  }
0xbc: {  	[tilespmem:s22], [sflag:$0x1] =	stream.linear.gather [hbm4b:s8+s2], $0x400, $0x38;
	[tilespmem:$0x6400] =	vst v63  }
0xbd: {  	s7 =	rddreg [dreg:$0xc]  }
0xbe: {  	[tilespmem:s21], [sflag:$0x1] =	stream.linear.gather [hbm4b:s7+s2], $0x400, $0x38;
	[tilespmem:$0x6400] =	vst v63  }
0xbf: {  	s8 =	rddreg [dreg:$0xd]  }
0xc0: {  	[tilespmem:s20], [sflag:$0x1] =	stream.linear.gather [hbm4b:s8+s2], $0x400, $0x38;
	[tilespmem:$0x6400] =	vst v63  }
0xc1: {  	s7 =	rddreg [dreg:$0xe]  }
0xc2: {  	[tilespmem:s19], [sflag:$0x1] =	stream.linear.gather [hbm4b:s7+s2], $0x400, $0x38;
	[tilespmem:$0x6400] =	vst v63  }
0xc3: {  	s8 =	rddreg [dreg:$0xf]  }
0xc4: {  	[tilespmem:s18], [sflag:$0x1] =	stream.linear.gather [hbm4b:s8+s2], $0x400, $0x38;
	[tilespmem:$0x6400] =	vst v63  }
0xc5: {  	s7 =	rddreg [dreg:$0x10]  }
0xc6: {  	[tilespmem:s17], [sflag:$0x1] =	stream.linear.gather [hbm4b:s7+s2], $0x400, $0x38;
	[tilespmem:$0x6400] =	vst v63  }
0xc7: {  	s8 =	rddreg [dreg:$0x11]  }
0xc8: {  	[tilespmem:s16], [sflag:$0x1] =	stream.linear.gather [hbm4b:s8+s2], $0x400, $0x38;
	[tilespmem:$0x6400] =	vst v63  }
0xc9: {  	s7 =	rddreg [dreg:$0x12]  }
0xca: {  	[tilespmem:s15], [sflag:$0x1] =	stream.linear.gather [hbm4b:s7+s2], $0x400, $0x38;
	[tilespmem:$0x6400] =	vst v63  }
0xcb: {  	s8 =	rddreg [dreg:$0x13]  }
0xcc: {  	[tilespmem:s14], [sflag:$0x1] =	stream.linear.gather [hbm4b:s8+s2], $0x400, $0x38;
	[tilespmem:$0x6400] =	vst v63  }
0xcd: {  	s7 =	rddreg [dreg:$0x14]  }
0xce: {  	[tilespmem:s12], [sflag:$0x1] =	stream.linear.gather [hbm4b:s7+s2], $0x400, $0x38;
	[tilespmem:$0x6400] =	vst v63  }
0xcf: {  	s8 =	rddreg [dreg:$0x15]  }
0xd0: {  	[tilespmem:s10], [sflag:$0x1] =	stream.linear.gather [hbm4b:s8+s2], $0x400, $0x38;
	[tilespmem:$0x6400] =	vst v63  }
0xd1: {  	s7 =	rddreg [dreg:$0x16];
	s8 =	simm.s32 $0x5000  }
0xd2: {  	[tilespmem:s8], [sflag:$0x1] =	stream.linear.gather [hbm4b:s7+s2], $0x400, $0x38;
	[tilespmem:$0x6400] =	vst v63  }
0xd3: {  	s0 =	rddreg [dreg:$0x17]  }
0xd4: {  	[tilespmem:s13], [sflag:$0x1] =	stream.linear.gather [hbm4b:s0+s2], $0x400, $0x38;
	[tilespmem:$0x6400] =	vst v63  }
0xd5: {  	s7 =	rddreg [dreg:$0x18]  }
0xd6: {  	[tilespmem:s11], [sflag:$0x1] =	stream.linear.gather [hbm4b:s7+s2], $0x400, $0x38;
	[tilespmem:$0x6400] =	vst v63  }
0xd7: {  	s8 =	simm.s32 $0x5C00;
	s0 =	rddreg [dreg:$0x19]  }
0xd8: {  	[tilespmem:s8], [sflag:$0x1] =	stream.linear.gather [hbm4b:s0+s2], $0x400, $0x38;
	[tilespmem:$0x6400] =	vst v63  }
0xd9: {  	s7 =	rddreg [dreg:$0x1a]  }
0xda: {  	[tilespmem:s9], [sflag:$0x1] =	stream.linear.gather [hbm4b:s7+s2], $0x400, $0x38;
	[tilespmem:$0x6400] =	vst v63  }
0xdb: {  	_ =	swait.ge [sflag:s5], $0x400  }
0xdc: {  	[sflag:s5] =	ssyncset.done $0x0  }
0xdd: {  	[sflag:s5] =	ssyncadd.s32 $0xFFFFFC00  }
0xde: {  	_ =	swait.ge [sflag:s5], $0x400  }
0xdf: {  	[sflag:s5] =	ssyncset.done $0x0  }
0xe0: {  	[sflag:s5] =	ssyncadd.s32 $0xFFFFFC00  }
0xe1: {  	_ =	swait.ge [sflag:s5], $0x400  }
0xe2: {  	[sflag:s5] =	ssyncset.done $0x0  }
0xe3: {  	[sflag:s5] =	ssyncadd.s32 $0xFFFFFC00  }
0xe4: {  	_ =	swait.ge [sflag:s5], $0x400  }
0xe5: {  	[sflag:s5] =	ssyncset.done $0x0  }
0xe6: {  	[sflag:s5] =	ssyncadd.s32 $0xFFFFFC00  }
0xe7: {  	_ =	swait.ge [sflag:s5], $0x400  }
0xe8: {  	[sflag:s5] =	ssyncset.done $0x0  }
0xe9: {  	[sflag:s5] =	ssyncadd.s32 $0xFFFFFC00  }
0xea: {  	_ =	swait.ge [sflag:s5], $0x400  }
0xeb: {  	[sflag:s5] =	ssyncset.done $0x0  }
0xec: {  	[sflag:s5] =	ssyncadd.s32 $0xFFFFFC00  }
0xed: {  	_ =	swait.ge [sflag:s5], $0x400  }
0xee: {  	[sflag:s5] =	ssyncset.done $0x0  }
0xef: {  	[sflag:s5] =	ssyncadd.s32 $0xFFFFFC00  }
0xf0: {  	_ =	swait.ge [sflag:s5], $0x400  }
0xf1: {  	[sflag:s5] =	ssyncset.done $0x0  }
0xf2: {  	[sflag:s5] =	ssyncadd.s32 $0xFFFFFC00  }
0xf3: {  	_ =	swait.ge [sflag:s5], $0x400  }
0xf4: {  	[sflag:s5] =	ssyncset.done $0x0  }
0xf5: {  	[sflag:s5] =	ssyncadd.s32 $0xFFFFFC00  }
0xf6: {  	_ =	swait.ge [sflag:s5], $0x400  }
0xf7: {  	[sflag:s5] =	ssyncset.done $0x0  }
0xf8: {  	[sflag:s5] =	ssyncadd.s32 $0xFFFFFC00  }
0xf9: {  	_ =	swait.ge [sflag:s5], $0x400  }
0xfa: {  	[sflag:s5] =	ssyncset.done $0x0  }
0xfb: {  	[sflag:s5] =	ssyncadd.s32 $0xFFFFFC00  }
0xfc: {  	_ =	swait.ge [sflag:s5], $0x400  }
0xfd: {  	[sflag:s5] =	ssyncset.done $0x0  }
0xfe: {  	[sflag:s5] =	ssyncadd.s32 $0xFFFFFC00  }
0xff: {  	_ =	swait.ge [sflag:s5], $0x400  }
0x100: {  	[sflag:s5] =	ssyncset.done $0x0  }
0x101: {  	[sflag:s5] =	ssyncadd.s32 $0xFFFFFC00  }
0x102: {  	_ =	swait.ge [sflag:s5], $0x400  }
0x103: {  	[sflag:s5] =	ssyncset.done $0x0  }
0x104: {  	[sflag:s5] =	ssyncadd.s32 $0xFFFFFC00  }
0x105: {  	_ =	swait.ge [sflag:s5], $0x400  }
0x106: {  	[sflag:s5] =	ssyncset.done $0x0  }
0x107: {  	[sflag:s5] =	ssyncadd.s32 $0xFFFFFC00  }
0x108: {  	_ =	swait.ge [sflag:s5], $0x400  }
0x109: {  	[sflag:s5] =	ssyncset.done $0x0  }
0x10a: {  	[sflag:s5] =	ssyncadd.s32 $0xFFFFFC00  }
0x10b: {  	_ =	swait.ge [sflag:s5], $0x400  }
0x10c: {  	[sflag:s5] =	ssyncset.done $0x0  }
0x10d: {  	[sflag:s5] =	ssyncadd.s32 $0xFFFFFC00  }
0x10e: {  	_ =	swait.ge [sflag:s5], $0x400  }
0x10f: {  	[sflag:s5] =	ssyncset.done $0x0  }
0x110: {  	[sflag:s5] =	ssyncadd.s32 $0xFFFFFC00  }
0x111: {  	_ =	swait.ge [sflag:s5], $0x400  }
0x112: {  	[sflag:s5] =	ssyncset.done $0x0  }
0x113: {  	[sflag:s5] =	ssyncadd.s32 $0xFFFFFC00  }
0x114: {  	_ =	swait.ge [sflag:s5], $0x400  }
0x115: {  	[sflag:s5] =	ssyncset.done $0x0  }
0x116: {  	[sflag:s5] =	ssyncadd.s32 $0xFFFFFC00  }
0x117: {  	_ =	swait.ge [sflag:s5], $0x400  }
0x118: {  	[sflag:s5] =	ssyncset.done $0x0  }
0x119: {  	[sflag:s5] =	ssyncadd.s32 $0xFFFFFC00  }
0x11a: {  	_ =	swait.ge [sflag:s5], $0x400  }
0x11b: {  	[sflag:s5] =	ssyncset.done $0x0  }
0x11c: {  	[sflag:s5] =	ssyncadd.s32 $0xFFFFFC00  }
0x11d: {  	_ =	swait.ge [sflag:s5], $0x400  }
0x11e: {  	[sflag:s5] =	ssyncset.done $0x0  }
0x11f: {  	[sflag:s5] =	ssyncadd.s32 $0xFFFFFC00  }
0x120: {  	_ =	swait.ge [sflag:s5], $0x400  }
0x121: {  	[sflag:s5] =	ssyncset.done $0x0  }
0x122: {  	[sflag:s5] =	ssyncadd.s32 $0xFFFFFC00  }
0x123: {  	p1 =	sne.s32 s1, $0x1;
	_ =	swait.ge [sflag:s5], $0x400  }
.Ltmp2:
0x124: {  	[sflag:s5] =	ssyncset.done $0x0;
	(pc) =	sbr.rel @p1 .LBB2_3-.Ltmp2, $4  }
0x125: {  	[sflag:s5] =	ssyncadd.s32 $0xFFFFFC00  }
0x126: {  	[hbm4b:s3+s2] =	stream.linear.scatter [tilespmem:s2], [sflag:$0x2], $0x6400, $0x38;
	[tilespmem:$0x6400] =	vst v63  }
0x127: {  	_ =	swait.ge [sflag:s4], $0x6400  }
0x128: {  	s1 =	sadd.s32 $0xFFFFFFFF, s1;
	[sflag:s4] =	ssyncset.done $0x0  }
0x129: {  	s7 =	stileid.u32  }
.LBB2_5:
0x12a: {  	[sflag:s4] =	ssyncadd.s32 @p0 $0xFFFF9C00  }
0x12b: {  	[tilespmem:s2], [sflag:$0x1] =	stream.linear.gather [hbm4b:s6+s2], $0x400, $0x38;
	[tilespmem:$0x6400] =	vst v63  }
0x12c: {  	s0 =	rddreg [dreg:$0x3]  }
0x12d: {  	[tilespmem:s31], [sflag:$0x1] =	stream.linear.gather [hbm4b:s0+s2], $0x400, $0x38;
	[tilespmem:$0x6400] =	vst v63  }
0x12e: {  	s1 =	rddreg [dreg:$0x4]  }
0x12f: {  	[tilespmem:s30], [sflag:$0x1] =	stream.linear.gather [hbm4b:s1+s2], $0x400, $0x38;
	[tilespmem:$0x6400] =	vst v63  }
0x130: {  	s31 =	rddreg [dreg:$0x5]  }
0x131: {  	[tilespmem:s29], [sflag:$0x1] =	stream.linear.gather [hbm4b:s31+s2], $0x400, $0x38;
	[tilespmem:$0x6400] =	vst v63  }
0x132: {  	s6 =	rddreg [dreg:$0x6]  }
0x133: {  	[tilespmem:s28], [sflag:$0x1] =	stream.linear.gather [hbm4b:s6+s2], $0x400, $0x38;
	[tilespmem:$0x6400] =	vst v63  }
0x134: {  	s30 =	rddreg [dreg:$0x7]  }
0x135: {  	[tilespmem:s26], [sflag:$0x1] =	stream.linear.gather [hbm4b:s30+s2], $0x400, $0x38;
	[tilespmem:$0x6400] =	vst v63  }
0x136: {  	s31 =	rddreg [dreg:$0x8]  }
0x137: {  	[tilespmem:s25], [sflag:$0x1] =	stream.linear.gather [hbm4b:s31+s2], $0x400, $0x38;
	[tilespmem:$0x6400] =	vst v63  }
0x138: {  	s6 =	rddreg [dreg:$0x9]  }
0x139: {  	[tilespmem:s24], [sflag:$0x1] =	stream.linear.gather [hbm4b:s6+s2], $0x400, $0x38;
	[tilespmem:$0x6400] =	vst v63  }
0x13a: {  	s26 =	rddreg [dreg:$0xa]  }
0x13b: {  	[tilespmem:s23], [sflag:$0x1] =	stream.linear.gather [hbm4b:s26+s2], $0x400, $0x38;
	[tilespmem:$0x6400] =	vst v63  }
0x13c: {  	s28 =	rddreg [dreg:$0xb]  }
0x13d: {  	[tilespmem:s22], [sflag:$0x1] =	stream.linear.gather [hbm4b:s28+s2], $0x400, $0x38;
	[tilespmem:$0x6400] =	vst v63  }
0x13e: {  	s29 =	rddreg [dreg:$0xc]  }
0x13f: {  	[tilespmem:s21], [sflag:$0x1] =	stream.linear.gather [hbm4b:s29+s2], $0x400, $0x38;
	[tilespmem:$0x6400] =	vst v63  }
0x140: {  	s30 =	rddreg [dreg:$0xd]  }
0x141: {  	[tilespmem:s20], [sflag:$0x1] =	stream.linear.gather [hbm4b:s30+s2], $0x400, $0x38;
	[tilespmem:$0x6400] =	vst v63  }
0x142: {  	s31 =	rddreg [dreg:$0xe]  }
0x143: {  	[tilespmem:s19], [sflag:$0x1] =	stream.linear.gather [hbm4b:s31+s2], $0x400, $0x38;
	[tilespmem:$0x6400] =	vst v63  }
0x144: {  	s6 =	rddreg [dreg:$0xf]  }
0x145: {  	[tilespmem:s18], [sflag:$0x1] =	stream.linear.gather [hbm4b:s6+s2], $0x400, $0x38;
	[tilespmem:$0x6400] =	vst v63  }
0x146: {  	s19 =	rddreg [dreg:$0x10]  }
0x147: {  	[tilespmem:s17], [sflag:$0x1] =	stream.linear.gather [hbm4b:s19+s2], $0x400, $0x38;
	[tilespmem:$0x6400] =	vst v63  }
0x148: {  	s20 =	rddreg [dreg:$0x11]  }
0x149: {  	[tilespmem:s16], [sflag:$0x1] =	stream.linear.gather [hbm4b:s20+s2], $0x400, $0x38;
	[tilespmem:$0x6400] =	vst v63  }
0x14a: {  	s21 =	rddreg [dreg:$0x12]  }
0x14b: {  	[tilespmem:s15], [sflag:$0x1] =	stream.linear.gather [hbm4b:s21+s2], $0x400, $0x38;
	[tilespmem:$0x6400] =	vst v63  }
0x14c: {  	s22 =	rddreg [dreg:$0x13]  }
0x14d: {  	[tilespmem:s14], [sflag:$0x1] =	stream.linear.gather [hbm4b:s22+s2], $0x400, $0x38;
	[tilespmem:$0x6400] =	vst v63  }
0x14e: {  	s23 =	rddreg [dreg:$0x14]  }
0x14f: {  	[tilespmem:s12], [sflag:$0x1] =	stream.linear.gather [hbm4b:s23+s2], $0x400, $0x38;
	[tilespmem:$0x6400] =	vst v63  }
0x150: {  	s24 =	rddreg [dreg:$0x15]  }
0x151: {  	[tilespmem:s10], [sflag:$0x1] =	stream.linear.gather [hbm4b:s24+s2], $0x400, $0x38;
	[tilespmem:$0x6400] =	vst v63  }
0x152: {  	s25 =	rddreg [dreg:$0x16];
	s28 =	simm.s32 $0x5000  }
0x153: {  	[tilespmem:s28], [sflag:$0x1] =	stream.linear.gather [hbm4b:s25+s2], $0x400, $0x38;
	[tilespmem:$0x6400] =	vst v63  }
0x154: {  	s26 =	rddreg [dreg:$0x17]  }
0x155: {  	[tilespmem:s13], [sflag:$0x1] =	stream.linear.gather [hbm4b:s26+s2], $0x400, $0x38;
	[tilespmem:$0x6400] =	vst v63  }
0x156: {  	s29 =	rddreg [dreg:$0x18]  }
0x157: {  	[tilespmem:s11], [sflag:$0x1] =	stream.linear.gather [hbm4b:s29+s2], $0x400, $0x38;
	[tilespmem:$0x6400] =	vst v63  }
0x158: {  	s30 =	rddreg [dreg:$0x19]  }
0x159: {  	[tilespmem:s8], [sflag:$0x1] =	stream.linear.gather [hbm4b:s30+s2], $0x400, $0x38;
	[tilespmem:$0x6400] =	vst v63  }
0x15a: {  	s31 =	rddreg [dreg:$0x1a]  }
0x15b: {  	[tilespmem:s9], [sflag:$0x1] =	stream.linear.gather [hbm4b:s31+s2], $0x400, $0x38;
	[tilespmem:$0x6400] =	vst v63  }
0x15c: {  	_ =	swait.ge [sflag:s5], $0x400  }
0x15d: {  	[sflag:s5] =	ssyncset.done $0x0  }
0x15e: {  	[sflag:s5] =	ssyncadd.s32 $0xFFFFFC00  }
0x15f: {  	_ =	swait.ge [sflag:s5], $0x400  }
0x160: {  	[sflag:s5] =	ssyncset.done $0x0  }
0x161: {  	[sflag:s5] =	ssyncadd.s32 $0xFFFFFC00  }
0x162: {  	_ =	swait.ge [sflag:s5], $0x400  }
0x163: {  	[sflag:s5] =	ssyncset.done $0x0  }
0x164: {  	[sflag:s5] =	ssyncadd.s32 $0xFFFFFC00  }
0x165: {  	_ =	swait.ge [sflag:s5], $0x400  }
0x166: {  	[sflag:s5] =	ssyncset.done $0x0  }
0x167: {  	[sflag:s5] =	ssyncadd.s32 $0xFFFFFC00  }
0x168: {  	_ =	swait.ge [sflag:s5], $0x400  }
0x169: {  	[sflag:s5] =	ssyncset.done $0x0  }
0x16a: {  	[sflag:s5] =	ssyncadd.s32 $0xFFFFFC00  }
0x16b: {  	_ =	swait.ge [sflag:s5], $0x400  }
0x16c: {  	[sflag:s5] =	ssyncset.done $0x0  }
0x16d: {  	[sflag:s5] =	ssyncadd.s32 $0xFFFFFC00  }
0x16e: {  	_ =	swait.ge [sflag:s5], $0x400  }
0x16f: {  	[sflag:s5] =	ssyncset.done $0x0  }
0x170: {  	[sflag:s5] =	ssyncadd.s32 $0xFFFFFC00  }
0x171: {  	_ =	swait.ge [sflag:s5], $0x400  }
0x172: {  	[sflag:s5] =	ssyncset.done $0x0  }
0x173: {  	[sflag:s5] =	ssyncadd.s32 $0xFFFFFC00  }
0x174: {  	_ =	swait.ge [sflag:s5], $0x400  }
0x175: {  	[sflag:s5] =	ssyncset.done $0x0  }
0x176: {  	[sflag:s5] =	ssyncadd.s32 $0xFFFFFC00  }
0x177: {  	_ =	swait.ge [sflag:s5], $0x400  }
0x178: {  	[sflag:s5] =	ssyncset.done $0x0  }
0x179: {  	[sflag:s5] =	ssyncadd.s32 $0xFFFFFC00  }
0x17a: {  	_ =	swait.ge [sflag:s5], $0x400  }
0x17b: {  	[sflag:s5] =	ssyncset.done $0x0  }
0x17c: {  	[sflag:s5] =	ssyncadd.s32 $0xFFFFFC00  }
0x17d: {  	_ =	swait.ge [sflag:s5], $0x400  }
0x17e: {  	[sflag:s5] =	ssyncset.done $0x0  }
0x17f: {  	[sflag:s5] =	ssyncadd.s32 $0xFFFFFC00  }
0x180: {  	_ =	swait.ge [sflag:s5], $0x400  }
0x181: {  	[sflag:s5] =	ssyncset.done $0x0  }
0x182: {  	[sflag:s5] =	ssyncadd.s32 $0xFFFFFC00  }
0x183: {  	_ =	swait.ge [sflag:s5], $0x400  }
0x184: {  	[sflag:s5] =	ssyncset.done $0x0  }
0x185: {  	[sflag:s5] =	ssyncadd.s32 $0xFFFFFC00  }
0x186: {  	_ =	swait.ge [sflag:s5], $0x400  }
0x187: {  	[sflag:s5] =	ssyncset.done $0x0  }
0x188: {  	[sflag:s5] =	ssyncadd.s32 $0xFFFFFC00  }
0x189: {  	_ =	swait.ge [sflag:s5], $0x400  }
0x18a: {  	[sflag:s5] =	ssyncset.done $0x0  }
0x18b: {  	[sflag:s5] =	ssyncadd.s32 $0xFFFFFC00  }
0x18c: {  	_ =	swait.ge [sflag:s5], $0x400  }
0x18d: {  	[sflag:s5] =	ssyncset.done $0x0  }
0x18e: {  	[sflag:s5] =	ssyncadd.s32 $0xFFFFFC00  }
0x18f: {  	_ =	swait.ge [sflag:s5], $0x400  }
0x190: {  	[sflag:s5] =	ssyncset.done $0x0  }
0x191: {  	[sflag:s5] =	ssyncadd.s32 $0xFFFFFC00  }
0x192: {  	_ =	swait.ge [sflag:s5], $0x400  }
0x193: {  	[sflag:s5] =	ssyncset.done $0x0  }
0x194: {  	[sflag:s5] =	ssyncadd.s32 $0xFFFFFC00  }
0x195: {  	_ =	swait.ge [sflag:s5], $0x400  }
0x196: {  	[sflag:s5] =	ssyncset.done $0x0  }
0x197: {  	[sflag:s5] =	ssyncadd.s32 $0xFFFFFC00  }
0x198: {  	_ =	swait.ge [sflag:s5], $0x400  }
0x199: {  	[sflag:s5] =	ssyncset.done $0x0  }
0x19a: {  	[sflag:s5] =	ssyncadd.s32 $0xFFFFFC00  }
0x19b: {  	_ =	swait.ge [sflag:s5], $0x400  }
0x19c: {  	[sflag:s5] =	ssyncset.done $0x0  }
0x19d: {  	[sflag:s5] =	ssyncadd.s32 $0xFFFFFC00  }
0x19e: {  	_ =	swait.ge [sflag:s5], $0x400  }
0x19f: {  	[sflag:s5] =	ssyncset.done $0x0  }
0x1a0: {  	[sflag:s5] =	ssyncadd.s32 $0xFFFFFC00  }
0x1a1: {  	_ =	swait.ge [sflag:s5], $0x400  }
0x1a2: {  	[sflag:s5] =	ssyncset.done $0x0  }
0x1a3: {  	[sflag:s5] =	ssyncadd.s32 $0xFFFFFC00  }
0x1a4: {  	_ =	swait.ge [sflag:s5], $0x400  }
0x1a5: {  	[sflag:s5] =	ssyncset.done $0x0  }
0x1a6: {  	[sflag:s5] =	ssyncadd.s32 $0xFFFFFC00  }
0x1a7: {  	[hbm4b:s3+s2] =	stream.linear.scatter [tilespmem:s2], [sflag:$0x2], $0x6400, $0x38;
	[tilespmem:$0x6400] =	vst v63  }
0x1a8: {  	_ =	swait.ge [sflag:s4], $0x6400  }
0x1a9: {  	[sflag:s4] =	ssyncset.done $0x0  }
0x1aa: {  	[sflag:s4] =	ssyncadd.s32 $0xFFFF9C00  }
0x1ab: {  	_ =	sfence.sel $0x180000  }
0x1ac: {  	[bflag:$0x0] =	sbarrier.arrive $0xFFFF  }
0x1ad: {  	_ =	strace $0x90000047  }
0x1ae: {  	[bflag:$0x2] =	sbarrier.arrive $0xFFFF  }
0x1af: {  	p0 =	sne.s32 s7, $0x0;
	s0 =	rddreg [dreg:$0x2]  }
0x1b0: {  	s0 =	sadd.s32 @!p0 $0x100000, s0  }
0x1b1: {  	[sflag:s0] =	ssyncadd.tile.s32 @!p0 $0x1;
	_ =	shalt  }
.LBB2_2:
.Ltmp3:
0x1b2: {  	(pc) =	sbr.rel .LBB2_5-.Ltmp3, $2  }
0x1b3: {  	_ =	sdelay $0x2  }
0x1b4: {  	s7 =	stileid.u32  }
.Lfunc_end2:
_tile_overlayer_lowered:
.L_overlay_start_2:
0x1b5: {  	(tag) =	ssettag $0x2  }
0x1b6: {  	s0 =	rddreg [dreg:$0x0];
	s2 =	stileid.u32  }
0x1b7: {  	s1 =	rddreg [dreg:$0x1];
	p0 =	sne.s32 s2, $0x0  }
0x1b8: {  	s3 =	rddreg [dreg:$0x2];
	[bflag:$0x3] =	sbarrier.arrive $0xFFFF;
	s2 =	simm.s32 @!p0 $0x1C02  }
0x1b9: {  	[timem:s3], [sflag:s2] =	dma.local @!p0 [hbm:s0], s1  }
0x1ba: {  	s0 =	simm.s32 @!p0 $0x2  }
0x1bb: {  	_ =	swait.ge @!p0 [sflag:s0], s1  }
0x1bc: {  	s1 =	ssub.s32 @!p0 $0x0, s1;
	[sflag:s0] =	ssyncset.done @!p0 $0x0  }
0x1bd: {  	[sflag:s0] =	ssyncadd.s32 @!p0 s1  }
0x1be: {  	[bflag:$0x3] =	sbarrier.arrive $0xFFFF  }
0x1bf: {  	_ =	shalt  }

// kernel: _emb_mean.7.cloned.1.call-start
scs
__scs_entry_jumppad:
0x0: {  	(pc) =	sbr.rel $0x88, $3  }
0x1: {  	(tag) =	ssettag $0x0;
	lr =	simm.s32 $0x1  }
0x2: {  	[smem:$0x3F9F] =	sst lr;
	_ =	strace $0xD0000000  }
0x3: {  	_ = 	snop  }
0x4: {  	_ = 	snop  }
0x5: {  	_ = 	snop  }
0x6: {  	_ = 	snop  }
0x7: {  	_ = 	snop  }
__scs_overlays_trampoline_lowered:
0x8: {  	[smem:$0x3FAE] =	sst s0  }
0x9: {  	[smem:$0x3FAF] =	sst s1  }
0xa: {  	[smem:$0x3FB0] =	sst s2  }
0xb: {  	[smem:$0x3FB1] =	sst s3  }
0xc: {  	[smem:$0x3FB2] =	sst s4  }
0xd: {  	[smem:$0x3FB3] =	sst s5  }
0xe: {  	[smem:$0x3FB4] =	sst s6  }
0xf: {  	[smem:$0x3FB5] =	sst s7  }
0x10: {  	[smem:$0x3FB6] =	sst s8  }
0x11: {  	[smem:$0x3FB7] =	sst s9;
	s0 =	simm.s32 @!p0 $0x0  }
0x12: {  	s1 =	sld [smem:$0x3F9D];
	s0 =	simm.s32 @p0 $0x1  }
0x13: {  	[smem:$0x3FB8] =	sst s0;
	s0 =	simm.s32 @!p1 $0x0  }
0x14: {  	s2 =	sld [smem:$0x3F9C];
	s0 =	simm.s32 @p1 $0x1  }
0x15: {  	[smem:$0x3FB9] =	sst s0;
	s0 =	simm.s32 @!p2 $0x0  }
0x16: {  	s3 =	sld [smem:$0x3FDB];
	s0 =	simm.s32 @p2 $0x1  }
0x17: {  	s4 =	simm.s32 $0x1BF5;
	[smem:$0x3FBB] =	sst s0  }
0x18: {  	s0 =	sld [smem:$0x3F9E];
	_ =	swait.ge [sflag:s4], $0x0  }
0x19: {  	s7 =	sld [smem:$0x3F9F]  }
0x1a: {  	s8 =	sadd.s32 $0xFFFFE003, lr  }
0x1b: {  	s9 =	sadd.s32 $0xFFFFFEF7, lr;
	s5 =	simm.s32 $0xFFFFFFFF;
	p2 =	slt.u32 s8, $0xFFFFF086  }
0x1c: {  	p1 =	slt.u32 s9, $0xF7A;
	s5 =	simm.s32 @!p2 $0x0  }
0x1d: {  	s5 =	simm.s32 @p1 $0x1;
	p0 =	seq.s32 s7, s2  }
0x1e: {  	s7 =	smul.u32 @!p0 $0xF7A, s2;
	p2 =	seq.s32 @!p0 s5, $0x0  }
0x1f: {  	s9 =	smul.u32 $0xF7A, s1;
	s8 =	simm.s32 @!p0 $0x1BF5;
	p2 =	por !p2, p0  }
0x20: {  	[sflag:s8] =	ssyncset.s32 @!p0 $0xFFFFF086;
	s6 =	sadd.s32 @!p0 s3, s7;
	s7 =	simm.s32 @!p0 $0x108  }
0x21: {  	s3 =	sadd.s32 s3, s9;
	s6 =	sadd.s32 @!p0 $0x88, s6;
	s7 =	simm.s32 @p2 $0x1082  }
0x22: {  	[simem:s7], [sflag:s8] =	dma.local @!p0 [hbm:s6], $0xF7A  }
0x23: {  	s9 =	sor.u32 $0xD0000000, s2;
	s6 =	simm.s32 $0x108;
	_ =	swait.ge @!p0 [sflag:s8], $0x0  }
0x24: {  	s3 =	sadd.s32 $0x88, s3;
	s6 =	simm.s32 @!p1 $0x1082;
	[sflag:s4] =	ssyncset.s32 $0xFFFFF086  }
0x25: {  	[simem:s6], [sflag:s4] =	dma.local [hbm:s3], $0xF7A  }
0x26: {  	[smem:$0x3F9F] =	sst s1;
	(tag) =	ssettag s2;
	_ =	strace s9  }
0x27: {  	s1 =	sld [smem:$0x3FAF]  }
0x28: {  	s2 =	sld [smem:$0x3FB0]  }
0x29: {  	s4 =	sld [smem:$0x3FB2]  }
0x2a: {  	p0 =	seq.s32 s5, $0x0;
	s5 =	sld [smem:$0x3FB3]  }
0x2b: {  	s6 =	sld [smem:$0x3FB4]  }
0x2c: {  	s7 =	sld [smem:$0x3FB5]  }
0x2d: {  	s3 =	simm.s32 $0x108;
	s8 =	sld [smem:$0x3FB6]  }
0x2e: {  	s3 =	simm.s32 @!p0 $0x1082;
	s9 =	sld [smem:$0x3FB7]  }
0x2f: {  	lr =	sadd.s32 s0, s3;
	s0 =	sld [smem:$0x3FAE]  }
0x30: {  	s3 =	sld [smem:$0x3FB1]  }
0x31: {  	[smem:$0x3FBA] =	sst s10  }
0x32: {  	s10 =	sld [smem:$0x3FB8];
	_ =	sdelay $0x3  }
0x33: {  	p0 =	seq.s32 s10, $0x1;
	s10 =	sld [smem:$0x3FBA];
	_ =	sdelay $0x3  }
0x34: {  	[smem:$0x3FBA] =	sst s10  }
0x35: {  	s10 =	sld [smem:$0x3FB9];
	_ =	sdelay $0x3  }
0x36: {  	p1 =	seq.s32 s10, $0x1;
	s10 =	sld [smem:$0x3FBA];
	_ =	sdelay $0x3  }
0x37: {  	[smem:$0x3FBA] =	sst s10  }
0x38: {  	s10 =	sld [smem:$0x3FBB]  }
0x39: {  	_ = 	snop;
	(pc) =	sbr.ind lr, $3  }
0x3a: {  	_ = 	snop  }
0x3b: {  	_ = 	snop  }
0x3c: {  	p2 =	seq.s32 s10, $0x1;
	s10 =	sld [smem:$0x3FBA]  }
0x3d: {  	_ =	shalt  }
0x3e: {  	_ =	shalt  }
0x3f: {  	_ =	shalt  }
0x40: {  	_ =	shalt  }
0x41: {  	_ =	shalt  }
0x42: {  	_ =	shalt  }
0x43: {  	_ =	shalt  }
0x44: {  	_ =	shalt  }
0x45: {  	_ =	shalt  }
0x46: {  	_ =	shalt  }
0x47: {  	_ =	shalt  }
0x48: {  	_ =	shalt  }
0x49: {  	_ =	shalt  }
0x4a: {  	_ =	shalt  }
0x4b: {  	_ =	shalt  }
0x4c: {  	_ =	shalt  }
0x4d: {  	_ =	shalt  }
0x4e: {  	_ =	shalt  }
0x4f: {  	_ =	shalt  }
0x50: {  	_ =	shalt  }
0x51: {  	_ =	shalt  }
0x52: {  	_ =	shalt  }
0x53: {  	_ =	shalt  }
0x54: {  	_ =	shalt  }
0x55: {  	_ =	shalt  }
0x56: {  	_ =	shalt  }
0x57: {  	_ =	shalt  }
0x58: {  	_ =	shalt  }
0x59: {  	_ =	shalt  }
0x5a: {  	_ =	shalt  }
0x5b: {  	_ =	shalt  }
0x5c: {  	_ =	shalt  }
0x5d: {  	_ =	shalt  }
0x5e: {  	_ =	shalt  }
0x5f: {  	_ =	shalt  }
0x60: {  	_ =	shalt  }
0x61: {  	_ =	shalt  }
0x62: {  	_ =	shalt  }
0x63: {  	_ =	shalt  }
0x64: {  	_ =	shalt  }
0x65: {  	_ =	shalt  }
0x66: {  	_ =	shalt  }
0x67: {  	_ =	shalt  }
0x68: {  	_ =	shalt  }
0x69: {  	_ =	shalt  }
0x6a: {  	_ =	shalt  }
0x6b: {  	_ =	shalt  }
0x6c: {  	_ =	shalt  }
0x6d: {  	_ =	shalt  }
0x6e: {  	_ =	shalt  }
0x6f: {  	_ =	shalt  }
0x70: {  	_ =	shalt  }
0x71: {  	_ =	shalt  }
0x72: {  	_ =	shalt  }
0x73: {  	_ =	shalt  }
0x74: {  	_ =	shalt  }
0x75: {  	_ =	shalt  }
0x76: {  	_ =	shalt  }
0x77: {  	_ =	shalt  }
0x78: {  	_ =	shalt  }
0x79: {  	_ =	shalt  }
0x7a: {  	_ =	shalt  }
0x7b: {  	_ =	shalt  }
0x7c: {  	_ =	shalt  }
0x7d: {  	_ =	shalt  }
0x7e: {  	_ =	shalt  }
0x7f: {  	_ =	shalt  }
0x80: {  	_ =	shalt  }
0x81: {  	_ =	shalt  }
0x82: {  	_ =	shalt  }
0x83: {  	_ =	shalt  }
0x84: {  	_ =	shalt  }
0x85: {  	_ =	shalt  }
0x86: {  	_ =	shalt  }
0x87: {  	_ =	shalt  }
.Lfunc_end0:
.L_simem_size_0:
called_computation.1_lowered:
.L_overlay_start_0:
0x88: {  	s2 =	sld [smem:$0x3FD9]  }
0x89: {  	s3 =	sld [smem:$0x3FFE];
	_ =	sdelay $0x1  }
0x8a: {  	s1 =	srdreg.scid  }
0x8b: {  	s0 =	sand.u32 $0x1, s1  }
0x8c: {  	s17 =	sshll.u32 s0, $0xA;
	s2 =	sadd.s32 s3, s2  }
0x8d: {  	s2 =	sadd.s32 s2, s17  }
0x8e: {  	[smem:$0x3FC6] =	sst s2  }
0x8f: {  	_ = 	snop  }
0x90: {  	s2 =	sld [smem:$0x3FD0];
	(tm) =	ssettm $0x1  }
0x91: {  	s18 =	sld [smem:$0x3FFB];
	_ =	sdelay $0x3  }
0x92: {  	_ =	strace s18  }
0x93: {  	s3 =	sld [smem:$0x3FFC];
	_ =	sdelay $0x3  }
0x94: {  	_ =	strace s3  }
0x95: {  	s3 =	sld [smem:$0x3FFD];
	_ =	sdelay $0x3  }
0x96: {  	_ =	strace s3  }
0x97: {  	_ =	strace $0x8FFFFFFF  }
0x98: {  	s19 =	sld [smem:$0x3FDB];
	_ =	sdelay $0x1  }
0x99: {  	s4 =	simm.s32 $_scs_section_size  }
0x9a: {  	s5 =	simm.s32 $_size__tile_overlayer_lowered;
	s6 =	simm.s32 $_tile_overlayer_lowered  }
0x9b: {  	s22 =	simm.s32 $0x1BFF;
	s21 =	sshll.u32 s6, $0x1;
	s3 =	sadd.s32 s4, s19  }
0x9c: {  	s7 =	simm.s32 $0x0;
	s20 =	sshll.u32 s5, $0x1;
	s5 =	sadd.s32 s21, s3  }
0x9d: {  	[timem:s7], [sflag:s22] =	dma.local [hbm:s5], s20  }
0x9e: {  	_ =	swait.ge [sflag:s22], s20  }
0x9f: {  	s4 =	ssub.s32 $0x0, s20;
	[sflag:s22] =	ssyncset.done $0x0  }
0xa0: {  	[sflag:s22] =	ssyncadd.s32 s4;
	_ =	sdelay $0x1  }
0xa1: {  	s23 =	simm.s32 $0x1B8B  }
0xa2: {  	_ =	swait.ge [sflag:s23], $0x1  }
0xa3: {  	[sflag:s23] =	ssyncset.done $0x0  }
0xa4: {  	s25 =	simm.s32 $0x1B8E;
	s24 =	sld [smem:$0x3FFE];
	[sflag:s23] =	ssyncadd.s32 $0xFFFFFFFF  }
0xa5: {  	s26 =	simm.s32 $execute0_lowered;
	[smem:$0x3FD2] =	sst s25  }
0xa6: {  	s5 =	sshll.u32 s26, $0x1;
	_ =	strace $0x80000049;
	[dreg:$0x1] =	wrdreg $0xFFFFFFFF  }
0xa7: {  	s28 =	simm.s32 $_size_execute0_lowered;
	s3 =	sadd.s32 s3, s5;
	[dreg:$0x0] =	wrdreg $0x0  }
0xa8: {  	s5 =	sshll.u32 s28, $0x1;
	[dreg:$0x2] =	wrdreg s3  }
0xa9: {  	[dreg:$0x3] =	wrdreg s5  }
0xaa: {  	[dreg:$0x4] =	wrdreg $0xC0  }
0xab: {  	_ =	task [dreg:s7], $0x5FFFF  }
0xac: {  	[dreg:$0x1] =	wrdreg $0xFFFFFFFF  }
0xad: {  	[dreg:$0x0] =	wrdreg $0x60  }
0xae: {  	[dreg:$0x2] =	wrdreg s24  }
0xaf: {  	[dreg:$0x3] =	wrdreg s2  }
0xb0: {  	[dreg:$0x4] =	wrdreg $0x9  }
0xb1: {  	_ =	task.clear_ibuf [dreg:s7], $0x5FFFF;
	_ =	strace $0x90000049  }
0xb2: {  	s29 =	simm.s32 $0x9;
	_ =	strace $0x8000004B  }
0xb3: {  	_ =	swait.ge [sflag:s29], $0x1  }
0xb4: {  	[sflag:s29] =	ssyncadd.s32 $0xFFFFFFFF  }
0xb5: {  	_ =	strace $0x9000004B  }
0xb6: {  	_ =	sfence  }
0xb7: {  	s30 =	sld [smem:$0x0];
	_ =	sdelay $0x2  }
0xb8: {  	s31 =	sshll.u32 s1, $0xD;
	s1 =	sshrl.u32 s1, $0x2  }
0xb9: {  	s3 =	sand.u32 $0x4000, s31;
	s1 =	sadd.s32 s1, s30  }
0xba: {  	s0 =	sor.u32 s3, s0;
	s1 =	sshll.u32 s1, $0x11  }
0xbb: {  	s0 =	sor.u32 s1, s0  }
0xbc: {  	s0 =	sadd.s32 $0x8F2B, s0  }
0xbd: {  	[sflag:s0] =	ssyncadd.remote.s32 $0x1  }
0xbe: {  	_ =	sfence.sel $0xFFFF  }
0xbf: {  	[dreg:$0x0] =	wrdreg $0xFFFFFFFF;
	(pc) =	sbr.abs _section_cstart, $3  }
0xc0: {  	[dreg:$0x1] =	wrdreg $0xFFFFFFFF  }
0xc1: {  	_ =	task.clear_ibuf [dreg:s7], $0x2FFFF;
	_ =	strace $0x9FFFFFFF  }
0xc2: {  	(tm) =	ssettm $0x7FFFFFFF  }
0xc3: {  	_ =	shalt  }
tec
execute0_lowered:
.L_overlay_start_1:
0x0: {  	(tag) =	ssettag $0x1  }
0x1: {  	s1 =	srdreg.scid;
	s3 =	rddreg [dreg:$0x0]  }
0x2: {  	s0 =	stileid.u32;
	s5 =	rddreg [dreg:$0x1];
	s2 =	simm.s32 $0x0  }
0x3: {  	s9 =	simm.s32 $0x6400;
	s10 =	simm.s32 $0x100;
	s11 =	simm.s32 $0x180  }
0x4: {  	s12 =	simm.s32 $0x200;
	s13 =	simm.s32 $0x280;
	s14 =	simm.s32 $0x300  }
0x5: {  	s15 =	simm.s32 $0x380;
	s16 =	simm.s32 $0x1;
	s17 =	simm.s32 $0x0  }
0x6: {  	s4 =	sand.u32 $0x1, s1;
	s31 =	sshll.u32 s0, $0x1;
	s1 =	rddreg [dreg:$0x2]  }
0x7: {  	[smem:$0x7FF] =	sst s2;
	s6 =	sor.u32 s4, s31;
	s4 =	ssub.s32 $0x2, s4  }
0x8: {  	s7 =	smul.u32 $0xC80, s6;
	s8 =	sshrl.u32 s4, $0x1;
	s6 =	sshll.u32 s6, $0xA  }
0x9: {  	_ =	strace $0x8000004A;
	s8 =	ssub.s32 s4, s8;
	s5 =	sadd.s32 s5, s6  }
0xa: {  	s7 =	sadd.s32 s7, s3;
	s3 =	sadd.s32 $0xF5BC00, s3;
	s6 =	smax.u32 s8, $0x1  }
0xb: {  	v0 =	vimm.f32 $0.0e+00;
	s8 =	simm.s32 $0x80;
	s4 =	sadd.s32 $0x800, s7;
	s7 =	simm.s32 $0x2  }
.LBB2_1:
0xc: {  	[tilespmem:s2], [sflag:$0x2] =	stream.linear.gather [hbm4b:s4+s2], $0x6400, $0x38;
	[tilespmem:$0x8400] =	vst v63  }
0xd: {  	_ =	swait.ge [sflag:s7], $0x6400  }
0xe: {  	[sflag:s7] =	ssyncset.done $0x0  }
0xf: {  	s19 =	simm.s32 $0x100;
	s18 =	simm.s32 $0x0;
	[sflag:s7] =	ssyncadd.s32 $0xFFFF9C00  }
.LBB2_2:
0x10: {  	p0 =	sne.s32 s19, $0x7F00;
	[tilespmem:s18+$0x6430] =	vst v0;
	s20 =	smov.u32 s19;
	s19 =	sadd.s32 $0x100, s19  }
.Ltmp0:
0x11: {  	[tilespmem:s18+$0x6420] =	vst v0;
	(pc) =	sbr.rel @p0 .LBB2_2-.Ltmp0, $3  }
0x12: {  	[tilespmem:s18+$0x6400] =	vst v0  }
0x13: {  	[tilespmem:s18+$0x6410] =	vst v0;
	_ =	sdelay $0x1  }
0x14: {  	s18 =	sshra.s32 s20, $0x2  }
0x15: {  	[tilespmem:s18+$0x6430] =	vst v0  }
0x16: {  	[tilespmem:s18+$0x6420] =	vst v0  }
0x17: {  	[tilespmem:s18+$0x6400] =	vst v0  }
0x18: {  	[tilespmem:s18+$0x6410] =	vst v0;
	s22 =	simm.s32 $0x0  }
0x19: {  	[tilespmem:s9], [sflag:$0x1] =	stream.indirect.gather.add.f32 [hbm:s3], $0x40, s22, s8, $0xb8;
	[tilespmem:$0x8400] =	vst v63  }
0x1a: {  	_ = 	snop  }
0x1b: {  	[tilespmem:s9], [sflag:$0x1] =	stream.indirect.gather.add.f32 [hbm:s3], $0x40, s8, s8, $0xb8;
	[tilespmem:$0x8400] =	vst v63  }
0x1c: {  	_ = 	snop  }
0x1d: {  	[tilespmem:s9], [sflag:$0x1] =	stream.indirect.gather.add.f32 [hbm:s3], $0x40, s10, s8, $0xb8;
	[tilespmem:$0x8400] =	vst v63  }
0x1e: {  	_ = 	snop  }
0x1f: {  	[tilespmem:s9], [sflag:$0x1] =	stream.indirect.gather.add.f32 [hbm:s3], $0x40, s11, s8, $0xb8;
	[tilespmem:$0x8400] =	vst v63  }
0x20: {  	_ = 	snop  }
0x21: {  	[tilespmem:s9], [sflag:$0x1] =	stream.indirect.gather.add.f32 [hbm:s3], $0x40, s12, s8, $0xb8;
	[tilespmem:$0x8400] =	vst v63  }
0x22: {  	_ = 	snop  }
0x23: {  	[tilespmem:s9], [sflag:$0x1] =	stream.indirect.gather.add.f32 [hbm:s3], $0x40, s13, s8, $0xb8;
	[tilespmem:$0x8400] =	vst v63  }
0x24: {  	_ = 	snop  }
0x25: {  	[tilespmem:s9], [sflag:$0x1] =	stream.indirect.gather.add.f32 [hbm:s3], $0x40, s14, s8, $0xb8;
	[tilespmem:$0x8400] =	vst v63  }
0x26: {  	_ = 	snop  }
0x27: {  	[tilespmem:s9], [sflag:$0x1] =	stream.indirect.gather.add.f32 [hbm:s3], $0x40, s15, s8, $0xb8;
	[tilespmem:$0x8400] =	vst v63  }
0x28: {  	s23 =	simm.s32 $0x400  }
0x29: {  	[tilespmem:s9], [sflag:$0x1] =	stream.indirect.gather.add.f32 [hbm:s3], $0x40, s23, s8, $0xb8;
	[tilespmem:$0x8400] =	vst v63  }
0x2a: {  	s24 =	simm.s32 $0x480  }
0x2b: {  	[tilespmem:s9], [sflag:$0x1] =	stream.indirect.gather.add.f32 [hbm:s3], $0x40, s24, s8, $0xb8;
	[tilespmem:$0x8400] =	vst v63  }
0x2c: {  	s25 =	simm.s32 $0x500  }
0x2d: {  	[tilespmem:s9], [sflag:$0x1] =	stream.indirect.gather.add.f32 [hbm:s3], $0x40, s25, s8, $0xb8;
	[tilespmem:$0x8400] =	vst v63  }
0x2e: {  	s26 =	simm.s32 $0x580  }
0x2f: {  	[tilespmem:s9], [sflag:$0x1] =	stream.indirect.gather.add.f32 [hbm:s3], $0x40, s26, s8, $0xb8;
	[tilespmem:$0x8400] =	vst v63  }
0x30: {  	s28 =	simm.s32 $0x600  }
0x31: {  	[tilespmem:s9], [sflag:$0x1] =	stream.indirect.gather.add.f32 [hbm:s3], $0x40, s28, s8, $0xb8;
	[tilespmem:$0x8400] =	vst v63  }
0x32: {  	s29 =	simm.s32 $0x680  }
0x33: {  	[tilespmem:s9], [sflag:$0x1] =	stream.indirect.gather.add.f32 [hbm:s3], $0x40, s29, s8, $0xb8;
	[tilespmem:$0x8400] =	vst v63  }
0x34: {  	s30 =	simm.s32 $0x700  }
0x35: {  	[tilespmem:s9], [sflag:$0x1] =	stream.indirect.gather.add.f32 [hbm:s3], $0x40, s30, s8, $0xb8;
	[tilespmem:$0x8400] =	vst v63  }
0x36: {  	s31 =	simm.s32 $0x780  }
0x37: {  	[tilespmem:s9], [sflag:$0x1] =	stream.indirect.gather.add.f32 [hbm:s3], $0x40, s31, s8, $0xb8;
	[tilespmem:$0x8400] =	vst v63  }
0x38: {  	_ =	swait.ge [sflag:s16], $0x2000  }
0x39: {  	[sflag:s16] =	ssyncset.done $0x0  }
0x3a: {  	[sflag:s16] =	ssyncadd.s32 $0xFFFFE000  }
0x3b: {  	_ =	swait.ge [sflag:s16], $0x2000  }
0x3c: {  	[sflag:s16] =	ssyncset.done $0x0  }
0x3d: {  	[sflag:s16] =	ssyncadd.s32 $0xFFFFE000  }
0x3e: {  	_ =	swait.ge [sflag:s16], $0x2000  }
0x3f: {  	[sflag:s16] =	ssyncset.done $0x0  }
0x40: {  	[sflag:s16] =	ssyncadd.s32 $0xFFFFE000  }
0x41: {  	_ =	swait.ge [sflag:s16], $0x2000  }
0x42: {  	[sflag:s16] =	ssyncset.done $0x0  }
0x43: {  	[sflag:s16] =	ssyncadd.s32 $0xFFFFE000  }
0x44: {  	_ =	swait.ge [sflag:s16], $0x2000  }
0x45: {  	[sflag:s16] =	ssyncset.done $0x0  }
0x46: {  	[sflag:s16] =	ssyncadd.s32 $0xFFFFE000  }
0x47: {  	_ =	swait.ge [sflag:s16], $0x2000  }
0x48: {  	[sflag:s16] =	ssyncset.done $0x0  }
0x49: {  	[sflag:s16] =	ssyncadd.s32 $0xFFFFE000  }
0x4a: {  	_ =	swait.ge [sflag:s16], $0x2000  }
0x4b: {  	[sflag:s16] =	ssyncset.done $0x0  }
0x4c: {  	[sflag:s16] =	ssyncadd.s32 $0xFFFFE000  }
0x4d: {  	_ =	swait.ge [sflag:s16], $0x2000  }
0x4e: {  	s21 =	simm.s32 $0x2000;
	s20 =	simm.s32 $0x400;
	[sflag:s16] =	ssyncset.done $0x0  }
.LBB2_4:
0x4f: {  	s22 =	sadd.s32 $0x400, s20  }
0x50: {  	[sflag:s16] =	ssyncadd.s32 $0xFFFFE000;
	s19 =	smov.u32 s21;
	s18 =	sadd.s32 $0x1000, s21  }
0x51: {  	[tilespmem:s9], [sflag:$0x1] =	stream.indirect.gather.add.f32 [hbm:s3], $0x40, s22, s8, $0xb8;
	[tilespmem:$0x8400] =	vst v63  }
0x52: {  	p0 =	sne.s32 s21, $0x17000;
	s21 =	sadd.s32 $0x480, s20  }
0x53: {  	[tilespmem:s9], [sflag:$0x1] =	stream.indirect.gather.add.f32 [hbm:s3], $0x40, s21, s8, $0xb8;
	[tilespmem:$0x8400] =	vst v63  }
0x54: {  	s21 =	sadd.s32 $0x500, s20  }
0x55: {  	[tilespmem:s9], [sflag:$0x1] =	stream.indirect.gather.add.f32 [hbm:s3], $0x40, s21, s8, $0xb8;
	[tilespmem:$0x8400] =	vst v63  }
0x56: {  	s21 =	sadd.s32 $0x580, s20  }
0x57: {  	[tilespmem:s9], [sflag:$0x1] =	stream.indirect.gather.add.f32 [hbm:s3], $0x40, s21, s8, $0xb8;
	[tilespmem:$0x8400] =	vst v63  }
0x58: {  	s21 =	sadd.s32 $0x600, s20  }
0x59: {  	[tilespmem:s9], [sflag:$0x1] =	stream.indirect.gather.add.f32 [hbm:s3], $0x40, s21, s8, $0xb8;
	[tilespmem:$0x8400] =	vst v63  }
0x5a: {  	s21 =	sadd.s32 $0x680, s20  }
0x5b: {  	[tilespmem:s9], [sflag:$0x1] =	stream.indirect.gather.add.f32 [hbm:s3], $0x40, s21, s8, $0xb8;
	[tilespmem:$0x8400] =	vst v63  }
0x5c: {  	s21 =	sadd.s32 $0x700, s20  }
0x5d: {  	[tilespmem:s9], [sflag:$0x1] =	stream.indirect.gather.add.f32 [hbm:s3], $0x40, s21, s8, $0xb8;
	[tilespmem:$0x8400] =	vst v63  }
0x5e: {  	s20 =	sadd.s32 $0x780, s20  }
0x5f: {  	[tilespmem:s9], [sflag:$0x1] =	stream.indirect.gather.add.f32 [hbm:s3], $0x40, s20, s8, $0xb8;
	[tilespmem:$0x8400] =	vst v63  }
0x60: {  	_ =	swait.ge [sflag:s16], $0x2000  }
0x61: {  	[sflag:s16] =	ssyncset.done $0x0  }
0x62: {  	[sflag:s16] =	ssyncadd.s32 $0xFFFFE000  }
0x63: {  	_ =	swait.ge [sflag:s16], $0x2000  }
0x64: {  	[sflag:s16] =	ssyncset.done $0x0  }
0x65: {  	[sflag:s16] =	ssyncadd.s32 $0xFFFFE000  }
0x66: {  	_ =	swait.ge [sflag:s16], $0x2000  }
0x67: {  	[sflag:s16] =	ssyncset.done $0x0  }
0x68: {  	[sflag:s16] =	ssyncadd.s32 $0xFFFFE000  }
0x69: {  	_ =	swait.ge [sflag:s16], $0x2000  }
0x6a: {  	[sflag:s16] =	ssyncset.done $0x0  }
0x6b: {  	[sflag:s16] =	ssyncadd.s32 $0xFFFFE000  }
0x6c: {  	_ =	swait.ge [sflag:s16], $0x2000  }
0x6d: {  	[sflag:s16] =	ssyncset.done $0x0  }
0x6e: {  	[sflag:s16] =	ssyncadd.s32 $0xFFFFE000  }
0x6f: {  	_ =	swait.ge [sflag:s16], $0x2000  }
0x70: {  	[sflag:s16] =	ssyncset.done $0x0  }
0x71: {  	[sflag:s16] =	ssyncadd.s32 $0xFFFFE000  }
.Ltmp1:
0x72: {  	_ =	swait.ge [sflag:s16], $0x2000;
	(pc) =	sbr.rel @p0 .LBB2_4-.Ltmp1, $4  }
0x73: {  	[sflag:s16] =	ssyncset.done $0x0  }
0x74: {  	[sflag:s16] =	ssyncadd.s32 $0xFFFFE000  }
0x75: {  	_ =	swait.ge [sflag:s16], $0x2000  }
0x76: {  	s21 =	smov.u32 s18;
	s20 =	sshra.s32 s19, $0x2;
	[sflag:s16] =	ssyncset.done $0x0  }
0x77: {  	s18 =	sadd.s32 $0x400, s20;
	[sflag:s16] =	ssyncadd.s32 $0xFFFFE000  }
0x78: {  	[tilespmem:s9], [sflag:$0x1] =	stream.indirect.gather.add.f32 [hbm:s3], $0x40, s18, s8, $0xb8;
	[tilespmem:$0x8400] =	vst v63  }
0x79: {  	s24 =	sadd.s32 $0x480, s20  }
0x7a: {  	[tilespmem:s9], [sflag:$0x1] =	stream.indirect.gather.add.f32 [hbm:s3], $0x40, s24, s8, $0xb8;
	[tilespmem:$0x8400] =	vst v63  }
0x7b: {  	s25 =	sadd.s32 $0x500, s20  }
0x7c: {  	[tilespmem:s9], [sflag:$0x1] =	stream.indirect.gather.add.f32 [hbm:s3], $0x40, s25, s8, $0xb8;
	[tilespmem:$0x8400] =	vst v63  }
0x7d: {  	s26 =	sadd.s32 $0x580, s20  }
0x7e: {  	[tilespmem:s9], [sflag:$0x1] =	stream.indirect.gather.add.f32 [hbm:s3], $0x40, s26, s8, $0xb8;
	[tilespmem:$0x8400] =	vst v63  }
0x7f: {  	s28 =	sadd.s32 $0x600, s20  }
0x80: {  	[tilespmem:s9], [sflag:$0x1] =	stream.indirect.gather.add.f32 [hbm:s3], $0x40, s28, s8, $0xb8;
	[tilespmem:$0x8400] =	vst v63  }
0x81: {  	s29 =	sadd.s32 $0x680, s20  }
0x82: {  	[tilespmem:s9], [sflag:$0x1] =	stream.indirect.gather.add.f32 [hbm:s3], $0x40, s29, s8, $0xb8;
	[tilespmem:$0x8400] =	vst v63  }
0x83: {  	s30 =	sadd.s32 $0x700, s20  }
0x84: {  	[tilespmem:s9], [sflag:$0x1] =	stream.indirect.gather.add.f32 [hbm:s3], $0x40, s30, s8, $0xb8;
	[tilespmem:$0x8400] =	vst v63  }
0x85: {  	s31 =	sadd.s32 $0x780, s20  }
0x86: {  	[tilespmem:s9], [sflag:$0x1] =	stream.indirect.gather.add.f32 [hbm:s3], $0x40, s31, s8, $0xb8;
	[tilespmem:$0x8400] =	vst v63  }
0x87: {  	_ =	swait.ge [sflag:s16], $0x2000  }
0x88: {  	[sflag:s16] =	ssyncset.done $0x0  }
0x89: {  	[sflag:s16] =	ssyncadd.s32 $0xFFFFE000  }
0x8a: {  	_ =	swait.ge [sflag:s16], $0x2000  }
0x8b: {  	[sflag:s16] =	ssyncset.done $0x0  }
0x8c: {  	[sflag:s16] =	ssyncadd.s32 $0xFFFFE000  }
0x8d: {  	_ =	swait.ge [sflag:s16], $0x2000  }
0x8e: {  	[sflag:s16] =	ssyncset.done $0x0  }
0x8f: {  	[sflag:s16] =	ssyncadd.s32 $0xFFFFE000  }
0x90: {  	_ =	swait.ge [sflag:s16], $0x2000  }
0x91: {  	[sflag:s16] =	ssyncset.done $0x0  }
0x92: {  	[sflag:s16] =	ssyncadd.s32 $0xFFFFE000  }
0x93: {  	_ =	swait.ge [sflag:s16], $0x2000  }
0x94: {  	[sflag:s16] =	ssyncset.done $0x0  }
0x95: {  	[sflag:s16] =	ssyncadd.s32 $0xFFFFE000  }
0x96: {  	_ =	swait.ge [sflag:s16], $0x2000  }
0x97: {  	[sflag:s16] =	ssyncset.done $0x0  }
0x98: {  	[sflag:s16] =	ssyncadd.s32 $0xFFFFE000  }
0x99: {  	_ =	swait.ge [sflag:s16], $0x2000  }
0x9a: {  	[sflag:s16] =	ssyncset.done $0x0  }
0x9b: {  	[sflag:s16] =	ssyncadd.s32 $0xFFFFE000  }
0x9c: {  	_ =	swait.ge [sflag:s16], $0x2000  }
0x9d: {  	[sflag:s16] =	ssyncset.done $0x0  }
0x9e: {  	[sflag:s16] =	ssyncadd.s32 $0xFFFFE000  }
0x9f: {  	_ =	swait.ge [sflag:s16], $0x2000  }
0xa0: {  	[sflag:s16] =	ssyncset.done $0x0  }
0xa1: {  	[sflag:s16] =	ssyncadd.s32 $0xFFFFE000  }
0xa2: {  	_ =	swait.ge [sflag:s16], $0x2000  }
0xa3: {  	[sflag:s16] =	ssyncset.done $0x0  }
0xa4: {  	[sflag:s16] =	ssyncadd.s32 $0xFFFFE000  }
0xa5: {  	_ =	swait.ge [sflag:s16], $0x2000  }
0xa6: {  	[sflag:s16] =	ssyncset.done $0x0  }
0xa7: {  	[sflag:s16] =	ssyncadd.s32 $0xFFFFE000  }
0xa8: {  	_ =	swait.ge [sflag:s16], $0x2000  }
0xa9: {  	[sflag:s16] =	ssyncset.done $0x0  }
0xaa: {  	[sflag:s16] =	ssyncadd.s32 $0xFFFFE000  }
0xab: {  	_ =	swait.ge [sflag:s16], $0x2000  }
0xac: {  	[sflag:s16] =	ssyncset.done $0x0  }
0xad: {  	[sflag:s16] =	ssyncadd.s32 $0xFFFFE000  }
0xae: {  	_ =	swait.ge [sflag:s16], $0x2000  }
0xaf: {  	[sflag:s16] =	ssyncset.done $0x0  }
0xb0: {  	[sflag:s16] =	ssyncadd.s32 $0xFFFFE000  }
0xb1: {  	_ =	swait.ge [sflag:s16], $0x2000  }
0xb2: {  	[sflag:s16] =	ssyncset.done $0x0  }
0xb3: {  	[sflag:s16] =	ssyncadd.s32 $0xFFFFE000  }
0xb4: {  	_ =	swait.ge [sflag:s16], $0x2000  }
0xb5: {  	[sflag:s16] =	ssyncset.done $0x0  }
0xb6: {  	s18 =	simm.s32 $0x0;
	[sflag:s16] =	ssyncadd.s32 $0xFFFFE000  }
0xb7: {  	v1 =	vld [tilespmem:s18+$0x6400]  }
0xb8: {  	v3 =	vld [tilespmem:s18+$0x6410]  }
0xb9: {  	s19 =	simm.s32 $0x100;
	v2 =	vld [tilespmem:s18+$0x6420]  }
.LBB2_6:
0xba: {  	p0 =	sne.s32 s19, $0x7F00;
	v4 =	vld [tilespmem:s18+$0x6430];
	_ =	sdelay $0x1  }
0xbb: {  	v1 =	vmul.f32 $4.999999890e-03, v1  }
.Ltmp2:
0xbc: {  	v3 =	vmul.f32 $4.999999890e-03, v3;
	(pc) =	sbr.rel @p0 .LBB2_6-.Ltmp2, $4  }
0xbd: {  	s20 =	sshra.s32 s19, $0x2;
	[tilespmem:s18+$0x6400] =	vst v1;
	v2 =	vmul.f32 $4.999999890e-03, v2  }
0xbe: {  	v1 =	vld [tilespmem:s20+$0x6400];
	[tilespmem:s18+$0x6410] =	vst v3;
	v4 =	vmul.f32 $4.999999890e-03, v4  }
0xbf: {  	v3 =	vld [tilespmem:s20+$0x6410];
	[tilespmem:s18+$0x6420] =	vst v2  }
0xc0: {  	s19 =	sadd.s32 $0x100, s19;
	v2 =	vld [tilespmem:s20+$0x6420];
	[tilespmem:s18+$0x6430] =	vst v4;
	s18 =	smov.u32 s20  }
0xc1: {  	v4 =	vld [tilespmem:s18+$0x6430];
	_ =	sdelay $0x1  }
0xc2: {  	v1 =	vmul.f32 $4.999999890e-03, v1  }
0xc3: {  	v3 =	vmul.f32 $4.999999890e-03, v3  }
0xc4: {  	[tilespmem:s18+$0x6400] =	vst v1;
	v1 =	vmul.f32 $4.999999890e-03, v2  }
0xc5: {  	s17 =	sadd.s32 $0x1, s17;
	[tilespmem:s18+$0x6410] =	vst v3;
	v2 =	vmul.f32 $4.999999890e-03, v4  }
0xc6: {  	p0 =	sne.s32 s17, s6;
	[tilespmem:s18+$0x6420] =	vst v1  }
.Ltmp3:
0xc7: {  	[tilespmem:s18+$0x6430] =	vst v2;
	(pc) =	sbr.rel @p0 .LBB2_1-.Ltmp3, $4  }
0xc8: {  	[hbm4b:s5+s2] =	stream.linear.scatter [tilespmem:s9], [sflag:$0x2], $0x2000, $0x38;
	[tilespmem:$0x8400] =	vst v63  }
0xc9: {  	_ =	swait.ge [sflag:s7], $0x2000  }
0xca: {  	[sflag:s7] =	ssyncset.done $0x0  }
0xcb: {  	[sflag:s7] =	ssyncadd.s32 $0xFFFFE000  }
0xcc: {  	_ =	sfence.sel $0x180000  }
0xcd: {  	[bflag:$0x0] =	sbarrier.arrive $0xFFFF  }
0xce: {  	p0 =	sne.s32 s0, $0x0;
	_ =	strace $0x9000004A  }
0xcf: {  	s0 =	sadd.s32 @!p0 $0x100000, s1;
	[bflag:$0x2] =	sbarrier.arrive $0xFFFF  }
0xd0: {  	[sflag:s0] =	ssyncadd.tile.s32 @!p0 $0x1;
	_ =	shalt  }
.Lfunc_end2:
_tile_overlayer_lowered:
.L_overlay_start_2:
0xd1: {  	(tag) =	ssettag $0x2  }
0xd2: {  	s0 =	rddreg [dreg:$0x0];
	s2 =	stileid.u32  }
0xd3: {  	s1 =	rddreg [dreg:$0x1];
	p0 =	sne.s32 s2, $0x0  }
0xd4: {  	s3 =	rddreg [dreg:$0x2];
	[bflag:$0x3] =	sbarrier.arrive $0xFFFF;
	s2 =	simm.s32 @!p0 $0x1C02  }
0xd5: {  	[timem:s3], [sflag:s2] =	dma.local @!p0 [hbm:s0], s1  }
0xd6: {  	s0 =	simm.s32 @!p0 $0x2  }
0xd7: {  	_ =	swait.ge @!p0 [sflag:s0], s1  }
0xd8: {  	s1 =	ssub.s32 @!p0 $0x0, s1;
	[sflag:s0] =	ssyncset.done @!p0 $0x0  }
0xd9: {  	[sflag:s0] =	ssyncadd.s32 @!p0 s1  }
0xda: {  	[bflag:$0x3] =	sbarrier.arrive $0xFFFF  }
0xdb: {  	_ =	shalt  }

</sc_bundles>
